<compile_context>
chip_gen: v7x
topology: tpu7x:2x2x1
jax: 0.10.2.dev20260603
libtpu: 0.0.44.dev20260713+nightly
codegen_flags: <defaults>
</compile_context>

<pallas_src>
import functools

import jax
import jax.numpy as jnp
from jax import lax
from jax.experimental import pallas as pl
from jax.experimental.pallas import tpu as pltpu
from jax.experimental.pallas import tpu_sc as plsc

D = 32
L = 16
NC = 2
NS = 16
NW = NC * NS
SUB = 128
NBUF = 2
PACK = 128 // D
PD = PACK * D
QC = 8192
QSH = 13
GRP = PACK * QC


@functools.lru_cache(maxsize=None)
def _build_pack_kernel(n_nodes: int):
    steps = (n_nodes + GRP - 1) // GRP
    n_packed = steps * QC

    def pack_body(x, out):
        cols = []
        for k in range(PACK):
            cols.append(x[:, pl.ds(k * QC, QC)].T)
        out[...] = jnp.concatenate(cols, axis=1)

    return pl.pallas_call(
        pack_body,
        grid=(steps,),
        in_specs=[pl.BlockSpec((D, GRP), lambda i: (0, i))],
        out_specs=pl.BlockSpec((QC, PD), lambda i: (i, 0)),
        out_shape=jax.ShapeDtypeStruct((n_packed, PD), jnp.float32),
    ), n_packed


@functools.lru_cache(maxsize=None)
def _build_score_kernel(total: int, n_packed: int, n_rels: int):
    per_w = total // NW
    nsub = per_w // SUB
    mesh = plsc.VectorSubcoreMesh(core_axis_name="c", subcore_axis_name="s")

    @functools.partial(
        pl.kernel,
        mesh=mesh,
        compiler_params=pltpu.CompilerParams(needs_layout_passes=False,
                                             use_tc_tiling_on_sc=True),
        out_type=jax.ShapeDtypeStruct((total,), jnp.float32),
        scratch_types=[
            pltpu.VMEM((per_w,), jnp.int32),
            pltpu.VMEM((per_w,), jnp.int32),
            pltpu.VMEM((per_w,), jnp.int32),
            pltpu.VMEM((per_w,), jnp.int32),
            pltpu.VMEM((per_w,), jnp.int32),
            pltpu.VMEM((n_rels // PACK, PD), jnp.float32),
            pltpu.VMEM((SUB, PD), jnp.float32),
            pltpu.VMEM((SUB, PD), jnp.float32),
            pltpu.VMEM((SUB, PD), jnp.float32),
            pltpu.VMEM((SUB, PD), jnp.float32),
            pltpu.VMEM((per_w,), jnp.float32),
            pltpu.SemaphoreType.DMA,
            pltpu.SemaphoreType.DMA,
        ],
    )
    def score_kernel(head_hbm, tail_hbm, rel_hbm, itab_hbm, rtab_hbm,
                     out_hbm, hidx, tidx, ridx, hidxp, tidxp,
                     rtab_v, hrows0, hrows1, trows0, trows1,
                     acc, sem0, sem1):
        sems = [sem0, sem1]
        hrows = [hrows0, hrows1]
        trows = [trows0, trows1]
        wid = lax.axis_index("s") * NC + lax.axis_index("c")
        base = wid * per_w

        pltpu.sync_copy(head_hbm.at[pl.ds(base, per_w)], hidx)
        pltpu.sync_copy(tail_hbm.at[pl.ds(base, per_w)], tidx)
        pltpu.sync_copy(rel_hbm.at[pl.ds(base, per_w)], ridx)
        pltpu.sync_copy(rtab_hbm, rtab_v)

        low = jnp.full((L,), QC - 1, jnp.int32)

        def packed_row(v):
            return lax.shift_left(lax.shift_right_logical(v, QSH + 2),
                                  QSH) | (v & low)

        def pack_body(k, carry):
            hv = hidx[pl.ds(k * L, L)]
            tv = tidx[pl.ds(k * L, L)]
            hidxp[pl.ds(k * L, L)] = packed_row(hv)
            tidxp[pl.ds(k * L, L)] = packed_row(tv)
            return carry

        lax.fori_loop(0, per_w // L, pack_body, 0)

        def start(c, b):
            off = c * SUB
            pltpu.make_async_copy(itab_hbm.at[hidxp.at[pl.ds(off, SUB)]],
                                  hrows[b], sems[b]).start()
            pltpu.make_async_copy(itab_hbm.at[tidxp.at[pl.ds(off, SUB)]],
                                  trows[b], sems[b]).start()

        def wait(c, b):
            pltpu.make_async_copy(itab_hbm.at[hidxp.at[pl.ds(c * SUB, SUB)]],
                                  hrows[b], sems[b]).wait()
            pltpu.make_async_copy(itab_hbm.at[tidxp.at[pl.ds(c * SUB, SUB)]],
                                  trows[b], sems[b]).wait()

        for b in range(NBUF):
            start(b, b)

        lane = lax.iota(jnp.int32, L)
        three = jnp.full((L,), PACK - 1, jnp.int32)

        def compute(c, b):
            def group_body(g, carry):
                pos = c * SUB + g * L
                rows = g * L + lane
                hraw = hidx[pl.ds(pos, L)]
                traw = tidx[pl.ds(pos, L)]
                rraw = ridx[pl.ds(pos, L)]
                hoff = lax.shift_left(
                    lax.shift_right_logical(hraw, QSH) & three, 5)
                toff = lax.shift_left(
                    lax.shift_right_logical(traw, QSH) & three, 5)
                rrow = lax.shift_right_logical(rraw, 2)
                roff = lax.shift_left(rraw & three, 5)
                s = jnp.zeros((L,), jnp.float32)
                for j in range(D):
                    h = plsc.load_gather(hrows[b], [rows, hoff + j])
                    t = plsc.load_gather(trows[b], [rows, toff + j])
                    r = plsc.load_gather(rtab_v, [rrow, roff + j])
                    d = h + r - t
                    s = s + d * d
                acc[pl.ds(pos, L)] = -s
                return carry

            lax.fori_loop(0, SUB // L, group_body, 0)

        def body(i, carry):
            for b in range(NBUF):
                c = i * NBUF + b
                wait(c, b)
                compute(c, b)
                nxt = c + NBUF

                @pl.when(nxt < nsub)
                def _():
                    start(nxt, b)

            return carry

        lax.fori_loop(0, nsub // NBUF, body, 0)
        pltpu.sync_copy(acc, out_hbm.at[pl.ds(base, per_w)])

    return score_kernel


def kernel(head_ids, tail_ids, relation_ids, i_embeddings, r_embeddings):
    B, K = head_ids.shape
    total = B * K
    h1 = head_ids.astype(jnp.int32).reshape(-1)
    t1 = tail_ids.astype(jnp.int32).reshape(-1)
    r1 = relation_ids.astype(jnp.int32).reshape(-1)
    pack, n_packed = _build_pack_kernel(i_embeddings.shape[0])
    itab_packed = pack(i_embeddings.T)
    rtab_packed = r_embeddings.reshape(r_embeddings.shape[0] // PACK, PD)
    score = _build_score_kernel(total, n_packed, r_embeddings.shape[0])
    out = score(h1, t1, r1, itab_packed, rtab_packed)
    prediction = out.reshape(B, K)
    pos_pred = prediction[:, :2].reshape(-1)
    neg_pred = prediction[:, 2:].reshape(-1)
    return prediction, pos_pred, neg_pred

# --- scband reference (transcript-rebuilt; emitter-appended) ---
"""Pipeline reference for scband-small-knowledge-model-10428180595343 (READ-ONLY COPY).

The authoritative reference and input builder live on the scoring server;
editing this copy changes nothing except your own understanding.
"""

import jax, jax.numpy as jnp
import numpy as np

NODE_NUM = 1000000
RELATION_NUM = 1000
EMBED_DIM = 32
BATCH = 16384

def setup_inputs(seed: int = 0) -> dict:
    key = jax.random.key(seed)
    k1, k2, k3, k4, k5 = jax.random.split(key, 5)
    head_ids = jax.random.randint(k1, (BATCH, 4), 0, NODE_NUM + 1, dtype=jnp.int64 if jax.config.jax_enable_x64 else jnp.int32)
    tail_ids = jax.random.randint(k2, (BATCH, 4), 0, NODE_NUM + 1, dtype=jnp.int64 if jax.config.jax_enable_x64 else jnp.int32)
    relation_ids = jax.random.randint(k3, (BATCH, 4), 0, RELATION_NUM, dtype=jnp.int64 if jax.config.jax_enable_x64 else jnp.int32)
    # learned parameters: nn.Embedding(node_num + 1, embedding_dim) and nn.Embedding(relation_num, embedding_dim)
    i_embeddings = jax.random.normal(k4, (NODE_NUM + 1, EMBED_DIM), dtype=jnp.float32)
    r_embeddings = jax.random.normal(k5, (RELATION_NUM, EMBED_DIM), dtype=jnp.float32)
    return {"head_ids": head_ids, "tail_ids": tail_ids, "relation_ids": relation_ids, "i_embeddings": i_embeddings, "r_embeddings": r_embeddings}

def reference(head_ids, tail_ids, relation_ids, i_embeddings, r_embeddings):
    # Faithful translation of SmallKnowledgeModel.KG_forward embedding + TransE scoring core:
    #   relation_vectors = self.r_embeddings(relation_ids)
    #   head_vectors     = self.i_embeddings(head_ids)
    #   tail_vectors     = self.i_embeddings(tail_ids)
    #   prediction = -((head_vectors + relation_vectors - tail_vectors) ** 2).sum(-1)
    relation_vectors = jnp.take(r_embeddings, relation_ids, axis=0)   # [B, 4, D]
    head_vectors = jnp.take(i_embeddings, head_ids, axis=0)           # [B, 4, D]
    tail_vectors = jnp.take(i_embeddings, tail_ids, axis=0)           # [B, 4, D]
    prediction = -jnp.sum((head_vectors + relation_vectors - tail_vectors) ** 2, axis=-1)  # [B, 4]
    pos_pred = prediction[:, :2].reshape(-1)
    neg_pred = prediction[:, 2:].reshape(-1)
    return prediction, pos_pred, neg_pred

if __name__ == "__main__":
    import jax
    _d = setup_inputs()
    print(jax.jit(kernel)(*tuple(_d.values())))

</pallas_src>

<mosaic_0001>
#map = affine_map<(d0, d1) -> (0)>
#map1 = affine_map<(d0, d1) -> (0, 0)>
module attributes {stable_mosaic.version = 14 : i64} {
  func.func @score_kernel(%arg0: i32, %arg1: i32, %arg2: memref<65536xi32, #tpu.memory_space<hbm>>, %arg3: memref<65536xi32, #tpu.memory_space<hbm>>, %arg4: memref<65536xi32, #tpu.memory_space<hbm>>, %arg5: memref<253952x128xf32, #tpu.memory_space<hbm>>, %arg6: memref<250x128xf32, #tpu.memory_space<hbm>>, %arg7: memref<65536xf32, #tpu.memory_space<hbm>>, %arg8: memref<2048xi32, #tpu.memory_space<vmem>>, %arg9: memref<2048xi32, #tpu.memory_space<vmem>>, %arg10: memref<2048xi32, #tpu.memory_space<vmem>>, %arg11: memref<2048xi32, #tpu.memory_space<vmem>>, %arg12: memref<2048xi32, #tpu.memory_space<vmem>>, %arg13: memref<250x128xf32, #tpu.memory_space<vmem>>, %arg14: memref<128x128xf32, #tpu.memory_space<vmem>>, %arg15: memref<128x128xf32, #tpu.memory_space<vmem>>, %arg16: memref<128x128xf32, #tpu.memory_space<vmem>>, %arg17: memref<128x128xf32, #tpu.memory_space<vmem>>, %arg18: memref<2048xf32, #tpu.memory_space<vmem>>, %arg19: memref<!tpu.dma_semaphore, #tpu.memory_space<semaphore_mem>>, %arg20: memref<!tpu.dma_semaphore, #tpu.memory_space<semaphore_mem>>) attributes {dimension_semantics = [#tpu.dimension_semantics<core_parallel>, #tpu.dimension_semantics<subcore_parallel>], iteration_bounds = array<i64: 2, 16>, scalar_prefetch = 0 : i64, scratch_operands = 13 : i64, tpu.core_type = #tpu.core_type<sc_vector_subcore>, window_params = [{transform_indices = #map}, {transform_indices = #map}, {transform_indices = #map}, {transform_indices = #map1}, {transform_indices = #map1}, {transform_indices = #map}]} {
    %mul3A = arith.constant 2 : i32
    %mul3A_0 = arith.muli %arg1, %mul3A : i32
    %add3A = arith.addi %mul3A_0, %arg0 : i32
    %mul3A_1 = arith.constant 2048 : i32
    %mul3A_2 = arith.muli %add3A, %mul3A_1 : i32
    "tpu.region"() ({
      %run_scoped3A = tpu.sem_alloc : memref<!tpu.dma_semaphore, #tpu.memory_space<semaphore_mem>>
      %dma_start3A_36 = tpu.memref_slice %arg2[%mul3A_2] : memref<65536xi32, #tpu.memory_space<hbm>> -> memref<2048xi32, #tpu.memory_space<hbm>>
      %dma_start3A_37 = tpu.memref_slice %arg2[%mul3A_2] : memref<65536xi32, #tpu.memory_space<hbm>> -> memref<2048xi32, #tpu.memory_space<hbm>>
      tpu.enqueue_dma source(%dma_start3A_37 : memref<2048xi32, #tpu.memory_space<hbm>>) target(%arg8 : memref<2048xi32, #tpu.memory_space<vmem>>) target_semaphore(%run_scoped3A : memref<!tpu.dma_semaphore, #tpu.memory_space<semaphore_mem>>)
      %dma_wait3A = tpu.memref_slice %arg2[%mul3A_2] : memref<65536xi32, #tpu.memory_space<hbm>> -> memref<2048xi32, #tpu.memory_space<hbm>>
      %dma_wait3A_38 = tpu.memref_slice %arg2[%mul3A_2] : memref<65536xi32, #tpu.memory_space<hbm>> -> memref<2048xi32, #tpu.memory_space<hbm>>
      tpu.wait_dma2 semaphore(%run_scoped3A : memref<!tpu.dma_semaphore, #tpu.memory_space<semaphore_mem>>) src(%dma_wait3A_38 : memref<2048xi32, #tpu.memory_space<hbm>>) dst(%arg8 : memref<2048xi32, #tpu.memory_space<vmem>>)
      tpu.yield
    }) : () -> ()
    "tpu.region"() ({
      %run_scoped3A = tpu.sem_alloc : memref<!tpu.dma_semaphore, #tpu.memory_space<semaphore_mem>>
      %dma_start3A_36 = tpu.memref_slice %arg3[%mul3A_2] : memref<65536xi32, #tpu.memory_space<hbm>> -> memref<2048xi32, #tpu.memory_space<hbm>>
      %dma_start3A_37 = tpu.memref_slice %arg3[%mul3A_2] : memref<65536xi32, #tpu.memory_space<hbm>> -> memref<2048xi32, #tpu.memory_space<hbm>>
      tpu.enqueue_dma source(%dma_start3A_37 : memref<2048xi32, #tpu.memory_space<hbm>>) target(%arg9 : memref<2048xi32, #tpu.memory_space<vmem>>) target_semaphore(%run_scoped3A : memref<!tpu.dma_semaphore, #tpu.memory_space<semaphore_mem>>)
      %dma_wait3A = tpu.memref_slice %arg3[%mul3A_2] : memref<65536xi32, #tpu.memory_space<hbm>> -> memref<2048xi32, #tpu.memory_space<hbm>>
      %dma_wait3A_38 = tpu.memref_slice %arg3[%mul3A_2] : memref<65536xi32, #tpu.memory_space<hbm>> -> memref<2048xi32, #tpu.memory_space<hbm>>
      tpu.wait_dma2 semaphore(%run_scoped3A : memref<!tpu.dma_semaphore, #tpu.memory_space<semaphore_mem>>) src(%dma_wait3A_38 : memref<2048xi32, #tpu.memory_space<hbm>>) dst(%arg9 : memref<2048xi32, #tpu.memory_space<vmem>>)
      tpu.yield
    }) : () -> ()
    "tpu.region"() ({
      %run_scoped3A = tpu.sem_alloc : memref<!tpu.dma_semaphore, #tpu.memory_space<semaphore_mem>>
      %dma_start3A_36 = tpu.memref_slice %arg4[%mul3A_2] : memref<65536xi32, #tpu.memory_space<hbm>> -> memref<2048xi32, #tpu.memory_space<hbm>>
      %dma_start3A_37 = tpu.memref_slice %arg4[%mul3A_2] : memref<65536xi32, #tpu.memory_space<hbm>> -> memref<2048xi32, #tpu.memory_space<hbm>>
      tpu.enqueue_dma source(%dma_start3A_37 : memref<2048xi32, #tpu.memory_space<hbm>>) target(%arg10 : memref<2048xi32, #tpu.memory_space<vmem>>) target_semaphore(%run_scoped3A : memref<!tpu.dma_semaphore, #tpu.memory_space<semaphore_mem>>)
      %dma_wait3A = tpu.memref_slice %arg4[%mul3A_2] : memref<65536xi32, #tpu.memory_space<hbm>> -> memref<2048xi32, #tpu.memory_space<hbm>>
      %dma_wait3A_38 = tpu.memref_slice %arg4[%mul3A_2] : memref<65536xi32, #tpu.memory_space<hbm>> -> memref<2048xi32, #tpu.memory_space<hbm>>
      tpu.wait_dma2 semaphore(%run_scoped3A : memref<!tpu.dma_semaphore, #tpu.memory_space<semaphore_mem>>) src(%dma_wait3A_38 : memref<2048xi32, #tpu.memory_space<hbm>>) dst(%arg10 : memref<2048xi32, #tpu.memory_space<vmem>>)
      tpu.yield
    }) : () -> ()
    "tpu.region"() ({
      %run_scoped3A = tpu.sem_alloc : memref<!tpu.dma_semaphore, #tpu.memory_space<semaphore_mem>>
      tpu.enqueue_dma source(%arg6 : memref<250x128xf32, #tpu.memory_space<hbm>>) target(%arg13 : memref<250x128xf32, #tpu.memory_space<vmem>>) target_semaphore(%run_scoped3A : memref<!tpu.dma_semaphore, #tpu.memory_space<semaphore_mem>>)
      tpu.wait_dma2 semaphore(%run_scoped3A : memref<!tpu.dma_semaphore, #tpu.memory_space<semaphore_mem>>) src(%arg6 : memref<250x128xf32, #tpu.memory_space<hbm>>) dst(%arg13 : memref<250x128xf32, #tpu.memory_space<vmem>>)
      tpu.yield
    }) : () -> ()
    %broadcast_in_dim3A = arith.constant 8191 : i32
    %broadcast_in_dim3A_3 = vector.broadcast %broadcast_in_dim3A : i32 to vector<16xi32>
    %scan3A = arith.constant 0 : i32
    %scan3A_4 = arith.constant 0 : i32
    %scan3A_5 = arith.constant 128 : i32
    %scan3A_6 = arith.addi %scan3A_4, %scan3A_5 : i32
    %scan3A_7 = arith.constant 1 : i32
    scf.for %scan3A_36 = %scan3A_4 to %scan3A_6 step %scan3A_7  : i32 {
      %mul3A_37 = arith.constant 16 : i32
      %mul3A_38 = arith.muli %scan3A_36, %mul3A_37 : i32
      %get3A = arith.index_cast %mul3A_38 : i32 to index
      %get3A_39 = tpu.vector_load %arg8[%get3A] {strides = array<i32>} : memref<2048xi32, #tpu.memory_space<vmem>>, vector<16xi32>,
      %mul3A_40 = arith.constant 16 : i32
      %mul3A_41 = arith.muli %scan3A_36, %mul3A_40 : i32
      %get3A_42 = arith.index_cast %mul3A_41 : i32 to index
      %get3A_43 = tpu.vector_load %arg9[%get3A_42] {strides = array<i32>} : memref<2048xi32, #tpu.memory_space<vmem>>, vector<16xi32>,
      %shift_right_logical3A = arith.constant 15 : i32
      %shift_right_logical3A_44 = vector.broadcast %shift_right_logical3A : i32 to vector<16xi32>
      %shift_right_logical3A_45 = arith.shrui %get3A_39, %shift_right_logical3A_44 : vector<16xi32>
      %shift_left3A = arith.constant 13 : i32
      %shift_left3A_46 = vector.broadcast %shift_left3A : i32 to vector<16xi32>
      %shift_left3A_47 = arith.shli %shift_right_logical3A_45, %shift_left3A_46 : vector<16xi32>
      %and3A = arith.andi %get3A_39, %broadcast_in_dim3A_3 : vector<16xi32>
      %or3A = arith.ori %shift_left3A_47, %and3A : vector<16xi32>
      %mul3A_48 = arith.constant 16 : i32
      %mul3A_49 = arith.muli %scan3A_36, %mul3A_48 : i32
      %swap3A = arith.index_cast %mul3A_49 : i32 to index
      %swap3A_50 = tpu.vector_load %arg11[%swap3A] {strides = array<i32>} : memref<2048xi32, #tpu.memory_space<vmem>>, vector<16xi32>,
      tpu.vector_store %arg11[%swap3A], %or3A {strides = array<i32>} : memref<2048xi32, #tpu.memory_space<vmem>>, vector<16xi32>,
      %shift_right_logical3A_51 = arith.constant 15 : i32
      %shift_right_logical3A_52 = vector.broadcast %shift_right_logical3A_51 : i32 to vector<16xi32>
      %shift_right_logical3A_53 = arith.shrui %get3A_43, %shift_right_logical3A_52 : vector<16xi32>
      %shift_left3A_54 = arith.constant 13 : i32
      %shift_left3A_55 = vector.broadcast %shift_left3A_54 : i32 to vector<16xi32>
      %shift_left3A_56 = arith.shli %shift_right_logical3A_53, %shift_left3A_55 : vector<16xi32>
      %and3A_57 = arith.andi %get3A_43, %broadcast_in_dim3A_3 : vector<16xi32>
      %or3A_58 = arith.ori %shift_left3A_56, %and3A_57 : vector<16xi32>
      %mul3A_59 = arith.constant 16 : i32
      %mul3A_60 = arith.muli %scan3A_36, %mul3A_59 : i32
      %swap3A_61 = arith.index_cast %mul3A_60 : i32 to index
      %swap3A_62 = tpu.vector_load %arg12[%swap3A_61] {strides = array<i32>} : memref<2048xi32, #tpu.memory_space<vmem>>, vector<16xi32>,
      tpu.vector_store %arg12[%swap3A_61], %or3A_58 {strides = array<i32>} : memref<2048xi32, #tpu.memory_space<vmem>>, vector<16xi32>,
    }
    %scan3A_8 = arith.constant 128 : i32
    %dma_start3A = arith.constant 0 : i32
    %dma_start3A_9 = tpu.memref_slice %arg11[%dma_start3A] : memref<2048xi32, #tpu.memory_space<vmem>> -> memref<128xi32, #tpu.memory_space<vmem>>
    %dma_start3A_10 = arith.constant 0 : i32
    %dma_start3A_11 = arith.constant 0 : i32
    %dma_start3A_12 = tpu.memref_slice %arg5[%dma_start3A_10, %dma_start3A_11] : memref<253952x128xf32, #tpu.memory_space<hbm>> -> memref<253952x128xf32, #tpu.memory_space<hbm>>
    tpu.enqueue_indirect_dma source(%dma_start3A_12 : memref<253952x128xf32, #tpu.memory_space<hbm>>) target(%arg14 : memref<128x128xf32, #tpu.memory_space<vmem>>) offsets(%dma_start3A_9 : memref<128xi32, #tpu.memory_space<vmem>>) semaphore(%arg19 : memref<!tpu.dma_semaphore, #tpu.memory_space<semaphore_mem>>)
    %dma_start3A_13 = arith.constant 0 : i32
    %dma_start3A_14 = tpu.memref_slice %arg12[%dma_start3A_13] : memref<2048xi32, #tpu.memory_space<vmem>> -> memref<128xi32, #tpu.memory_space<vmem>>
    %dma_start3A_15 = arith.constant 0 : i32
    %dma_start3A_16 = arith.constant 0 : i32
    %dma_start3A_17 = tpu.memref_slice %arg5[%dma_start3A_15, %dma_start3A_16] : memref<253952x128xf32, #tpu.memory_space<hbm>> -> memref<253952x128xf32, #tpu.memory_space<hbm>>
    tpu.enqueue_indirect_dma source(%dma_start3A_17 : memref<253952x128xf32, #tpu.memory_space<hbm>>) target(%arg16 : memref<128x128xf32, #tpu.memory_space<vmem>>) offsets(%dma_start3A_14 : memref<128xi32, #tpu.memory_space<vmem>>) semaphore(%arg19 : memref<!tpu.dma_semaphore, #tpu.memory_space<semaphore_mem>>)
    %dma_start3A_18 = arith.constant 128 : i32
    %dma_start3A_19 = tpu.memref_slice %arg11[%dma_start3A_18] : memref<2048xi32, #tpu.memory_space<vmem>> -> memref<128xi32, #tpu.memory_space<vmem>>
    %dma_start3A_20 = arith.constant 0 : i32
    %dma_start3A_21 = arith.constant 0 : i32
    %dma_start3A_22 = tpu.memref_slice %arg5[%dma_start3A_20, %dma_start3A_21] : memref<253952x128xf32, #tpu.memory_space<hbm>> -> memref<253952x128xf32, #tpu.memory_space<hbm>>
    tpu.enqueue_indirect_dma source(%dma_start3A_22 : memref<253952x128xf32, #tpu.memory_space<hbm>>) target(%arg15 : memref<128x128xf32, #tpu.memory_space<vmem>>) offsets(%dma_start3A_19 : memref<128xi32, #tpu.memory_space<vmem>>) semaphore(%arg20 : memref<!tpu.dma_semaphore, #tpu.memory_space<semaphore_mem>>)
    %dma_start3A_23 = arith.constant 128 : i32
    %dma_start3A_24 = tpu.memref_slice %arg12[%dma_start3A_23] : memref<2048xi32, #tpu.memory_space<vmem>> -> memref<128xi32, #tpu.memory_space<vmem>>
    %dma_start3A_25 = arith.constant 0 : i32
    %dma_start3A_26 = arith.constant 0 : i32
    %dma_start3A_27 = tpu.memref_slice %arg5[%dma_start3A_25, %dma_start3A_26] : memref<253952x128xf32, #tpu.memory_space<hbm>> -> memref<253952x128xf32, #tpu.memory_space<hbm>>
    tpu.enqueue_indirect_dma source(%dma_start3A_27 : memref<253952x128xf32, #tpu.memory_space<hbm>>) target(%arg17 : memref<128x128xf32, #tpu.memory_space<vmem>>) offsets(%dma_start3A_24 : memref<128xi32, #tpu.memory_space<vmem>>) semaphore(%arg20 : memref<!tpu.dma_semaphore, #tpu.memory_space<semaphore_mem>>)
    %iota3A = tpu.iota {dimensions = array<i32: 0>} : vector<16xi32>
    %broadcast_in_dim3A_28 = arith.constant 3 : i32
    %broadcast_in_dim3A_29 = vector.broadcast %broadcast_in_dim3A_28 : i32 to vector<16xi32>
    %scan3A_30 = arith.constant 0 : i32
    %scan3A_31 = arith.constant 0 : i32
    %scan3A_32 = arith.constant 8 : i32
    %scan3A_33 = arith.addi %scan3A_31, %scan3A_32 : i32
    %scan3A_34 = arith.constant 1 : i32
    scf.for %scan3A_36 = %scan3A_31 to %scan3A_33 step %scan3A_34  : i32 {
      %mul3A_37 = arith.constant 2 : i32
      %mul3A_38 = arith.muli %scan3A_36, %mul3A_37 : i32
      %add3A_39 = arith.constant 0 : i32
      %add3A_40 = arith.addi %mul3A_38, %add3A_39 : i32
      %mul3A_41 = arith.constant 128 : i32
      %mul3A_42 = arith.muli %add3A_40, %mul3A_41 : i32
      %dma_wait3A = tpu.memref_slice %arg11[%mul3A_42] : memref<2048xi32, #tpu.memory_space<vmem>> -> memref<128xi32, #tpu.memory_space<vmem>>
      %dma_wait3A_43 = arith.constant 0 : i32
      %dma_wait3A_44 = arith.constant 0 : i32
      %dma_wait3A_45 = tpu.memref_slice %arg5[%dma_wait3A_43, %dma_wait3A_44] : memref<253952x128xf32, #tpu.memory_space<hbm>> -> memref<253952x128xf32, #tpu.memory_space<hbm>>
      tpu.wait_indirect_dma semaphore(%arg19 : memref<!tpu.dma_semaphore, #tpu.memory_space<semaphore_mem>>) src(%dma_wait3A_45 : memref<253952x128xf32, #tpu.memory_space<hbm>>) dst(%arg14 : memref<128x128xf32, #tpu.memory_space<vmem>>)
      %mul3A_46 = arith.constant 128 : i32
      %mul3A_47 = arith.muli %add3A_40, %mul3A_46 : i32
      %dma_wait3A_48 = tpu.memref_slice %arg12[%mul3A_47] : memref<2048xi32, #tpu.memory_space<vmem>> -> memref<128xi32, #tpu.memory_space<vmem>>
      %dma_wait3A_49 = arith.constant 0 : i32
      %dma_wait3A_50 = arith.constant 0 : i32
      %dma_wait3A_51 = tpu.memref_slice %arg5[%dma_wait3A_49, %dma_wait3A_50] : memref<253952x128xf32, #tpu.memory_space<hbm>> -> memref<253952x128xf32, #tpu.memory_space<hbm>>
      tpu.wait_indirect_dma semaphore(%arg19 : memref<!tpu.dma_semaphore, #tpu.memory_space<semaphore_mem>>) src(%dma_wait3A_51 : memref<253952x128xf32, #tpu.memory_space<hbm>>) dst(%arg16 : memref<128x128xf32, #tpu.memory_space<vmem>>)
      %scan3A_52 = arith.constant 0 : i32
      %scan3A_53 = arith.constant 0 : i32
      %scan3A_54 = arith.constant 8 : i32
      %scan3A_55 = arith.addi %scan3A_53, %scan3A_54 : i32
      %scan3A_56 = arith.constant 1 : i32
      scf.for %scan3A_91 = %scan3A_53 to %scan3A_55 step %scan3A_56  : i32 {
        %mul3A_92 = arith.constant 128 : i32
        %mul3A_93 = arith.muli %add3A_40, %mul3A_92 : i32
        %mul3A_94 = arith.constant 16 : i32
        %mul3A_95 = arith.muli %scan3A_91, %mul3A_94 : i32
        %add3A_96 = arith.addi %mul3A_93, %mul3A_95 : i32
        %mul3A_97 = arith.constant 16 : i32
        %mul3A_98 = arith.muli %scan3A_91, %mul3A_97 : i32
        %add3A_99 = vector.broadcast %mul3A_98 : i32 to vector<16xi32>
        %add3A_100 = arith.addi %add3A_99, %iota3A : vector<16xi32>
        %get3A = arith.index_cast %add3A_96 : i32 to index
        %get3A_101 = tpu.vector_load %arg8[%get3A] {strides = array<i32>} : memref<2048xi32, #tpu.memory_space<vmem>>, vector<16xi32>,
        %get3A_102 = arith.index_cast %add3A_96 : i32 to index
        %get3A_103 = tpu.vector_load %arg9[%get3A_102] {strides = array<i32>} : memref<2048xi32, #tpu.memory_space<vmem>>, vector<16xi32>,
        %get3A_104 = arith.index_cast %add3A_96 : i32 to index
        %get3A_105 = tpu.vector_load %arg10[%get3A_104] {strides = array<i32>} : memref<2048xi32, #tpu.memory_space<vmem>>, vector<16xi32>,
        %shift_right_logical3A = arith.constant 13 : i32
        %shift_right_logical3A_106 = vector.broadcast %shift_right_logical3A : i32 to vector<16xi32>
        %shift_right_logical3A_107 = arith.shrui %get3A_101, %shift_right_logical3A_106 : vector<16xi32>
        %and3A = arith.andi %shift_right_logical3A_107, %broadcast_in_dim3A_29 : vector<16xi32>
        %shift_left3A = arith.constant 5 : i32
        %shift_left3A_108 = vector.broadcast %shift_left3A : i32 to vector<16xi32>
        %shift_left3A_109 = arith.shli %and3A, %shift_left3A_108 : vector<16xi32>
        %shift_right_logical3A_110 = arith.constant 13 : i32
        %shift_right_logical3A_111 = vector.broadcast %shift_right_logical3A_110 : i32 to vector<16xi32>
        %shift_right_logical3A_112 = arith.shrui %get3A_103, %shift_right_logical3A_111 : vector<16xi32>
        %and3A_113 = arith.andi %shift_right_logical3A_112, %broadcast_in_dim3A_29 : vector<16xi32>
        %shift_left3A_114 = arith.constant 5 : i32
        %shift_left3A_115 = vector.broadcast %shift_left3A_114 : i32 to vector<16xi32>
        %shift_left3A_116 = arith.shli %and3A_113, %shift_left3A_115 : vector<16xi32>
        %shift_right_logical3A_117 = arith.constant 2 : i32
        %shift_right_logical3A_118 = vector.broadcast %shift_right_logical3A_117 : i32 to vector<16xi32>
        %shift_right_logical3A_119 = arith.shrui %get3A_105, %shift_right_logical3A_118 : vector<16xi32>
        %and3A_120 = arith.andi %get3A_105, %broadcast_in_dim3A_29 : vector<16xi32>
        %shift_left3A_121 = arith.constant 5 : i32
        %shift_left3A_122 = vector.broadcast %shift_left3A_121 : i32 to vector<16xi32>
        %shift_left3A_123 = arith.shli %and3A_120, %shift_left3A_122 : vector<16xi32>
        %broadcast_in_dim3A_124 = arith.constant 0.000000e+00 : f32
        %broadcast_in_dim3A_125 = vector.broadcast %broadcast_in_dim3A_124 : f32 to vector<16xf32>
        %add3A_126 = arith.constant 0 : i32
        %add3A_127 = vector.broadcast %add3A_126 : i32 to vector<16xi32>
        %add3A_128 = arith.addi %shift_left3A_109, %add3A_127 : vector<16xi32>
        %gather3A = tpu.vector_load_idx %arg14[%add3A_100, %add3A_128] : memref<128x128xf32, #tpu.memory_space<vmem>>[vector<16xi32>, vector<16xi32>], vector<16xf32>,
        %add3A_129 = arith.constant 0 : i32
        %add3A_130 = vector.broadcast %add3A_129 : i32 to vector<16xi32>
        %add3A_131 = arith.addi %shift_left3A_116, %add3A_130 : vector<16xi32>
        %gather3A_132 = tpu.vector_load_idx %arg16[%add3A_100, %add3A_131] : memref<128x128xf32, #tpu.memory_space<vmem>>[vector<16xi32>, vector<16xi32>], vector<16xf32>,
        %add3A_133 = arith.constant 0 : i32
        %add3A_134 = vector.broadcast %add3A_133 : i32 to vector<16xi32>
        %add3A_135 = arith.addi %shift_left3A_123, %add3A_134 : vector<16xi32>
        %gather3A_136 = tpu.vector_load_idx %arg13[%shift_right_logical3A_119, %add3A_135] : memref<250x128xf32, #tpu.memory_space<vmem>>[vector<16xi32>, vector<16xi32>], vector<16xf32>,
        %add3A_137 = arith.addf %gather3A, %gather3A_136 : vector<16xf32>
        %sub3A = arith.subf %add3A_137, %gather3A_132 : vector<16xf32>
        %mul3A_138 = arith.mulf %sub3A, %sub3A : vector<16xf32>
        %add3A_139 = arith.addf %broadcast_in_dim3A_125, %mul3A_138 : vector<16xf32>
        %add3A_140 = arith.constant 1 : i32
        %add3A_141 = vector.broadcast %add3A_140 : i32 to vector<16xi32>
        %add3A_142 = arith.addi %shift_left3A_109, %add3A_141 : vector<16xi32>
        %gather3A_143 = tpu.vector_load_idx %arg14[%add3A_100, %add3A_142] : memref<128x128xf32, #tpu.memory_space<vmem>>[vector<16xi32>, vector<16xi32>], vector<16xf32>,
        %add3A_144 = arith.constant 1 : i32
        %add3A_145 = vector.broadcast %add3A_144 : i32 to vector<16xi32>
        %add3A_146 = arith.addi %shift_left3A_116, %add3A_145 : vector<16xi32>
        %gather3A_147 = tpu.vector_load_idx %arg16[%add3A_100, %add3A_146] : memref<128x128xf32, #tpu.memory_space<vmem>>[vector<16xi32>, vector<16xi32>], vector<16xf32>,
        %add3A_148 = arith.constant 1 : i32
        %add3A_149 = vector.broadcast %add3A_148 : i32 to vector<16xi32>
        %add3A_150 = arith.addi %shift_left3A_123, %add3A_149 : vector<16xi32>
        %gather3A_151 = tpu.vector_load_idx %arg13[%shift_right_logical3A_119, %add3A_150] : memref<250x128xf32, #tpu.memory_space<vmem>>[vector<16xi32>, vector<16xi32>], vector<16xf32>,
        %add3A_152 = arith.addf %gather3A_143, %gather3A_151 : vector<16xf32>
        %sub3A_153 = arith.subf %add3A_152, %gather3A_147 : vector<16xf32>
        %mul3A_154 = arith.mulf %sub3A_153, %sub3A_153 : vector<16xf32>
        %add3A_155 = arith.addf %add3A_139, %mul3A_154 : vector<16xf32>
        %add3A_156 = arith.constant 2 : i32
        %add3A_157 = vector.broadcast %add3A_156 : i32 to vector<16xi32>
        %add3A_158 = arith.addi %shift_left3A_109, %add3A_157 : vector<16xi32>
        %gather3A_159 = tpu.vector_load_idx %arg14[%add3A_100, %add3A_158] : memref<128x128xf32, #tpu.memory_space<vmem>>[vector<16xi32>, vector<16xi32>], vector<16xf32>,
        %add3A_160 = arith.constant 2 : i32
        %add3A_161 = vector.broadcast %add3A_160 : i32 to vector<16xi32>
        %add3A_162 = arith.addi %shift_left3A_116, %add3A_161 : vector<16xi32>
        %gather3A_163 = tpu.vector_load_idx %arg16[%add3A_100, %add3A_162] : memref<128x128xf32, #tpu.memory_space<vmem>>[vector<16xi32>, vector<16xi32>], vector<16xf32>,
        %add3A_164 = arith.constant 2 : i32
        %add3A_165 = vector.broadcast %add3A_164 : i32 to vector<16xi32>
        %add3A_166 = arith.addi %shift_left3A_123, %add3A_165 : vector<16xi32>
        %gather3A_167 = tpu.vector_load_idx %arg13[%shift_right_logical3A_119, %add3A_166] : memref<250x128xf32, #tpu.memory_space<vmem>>[vector<16xi32>, vector<16xi32>], vector<16xf32>,
        %add3A_168 = arith.addf %gather3A_159, %gather3A_167 : vector<16xf32>
        %sub3A_169 = arith.subf %add3A_168, %gather3A_163 : vector<16xf32>
        %mul3A_170 = arith.mulf %sub3A_169, %sub3A_169 : vector<16xf32>
        %add3A_171 = arith.addf %add3A_155, %mul3A_170 : vector<16xf32>
        %add3A_172 = arith.constant 3 : i32
        %add3A_173 = vector.broadcast %add3A_172 : i32 to vector<16xi32>
        %add3A_174 = arith.addi %shift_left3A_109, %add3A_173 : vector<16xi32>
        %gather3A_175 = tpu.vector_load_idx %arg14[%add3A_100, %add3A_174] : memref<128x128xf32, #tpu.memory_space<vmem>>[vector<16xi32>, vector<16xi32>], vector<16xf32>,
        %add3A_176 = arith.constant 3 : i32
        %add3A_177 = vector.broadcast %add3A_176 : i32 to vector<16xi32>
        %add3A_178 = arith.addi %shift_left3A_116, %add3A_177 : vector<16xi32>
        %gather3A_179 = tpu.vector_load_idx %arg16[%add3A_100, %add3A_178] : memref<128x128xf32, #tpu.memory_space<vmem>>[vector<16xi32>, vector<16xi32>], vector<16xf32>,
        %add3A_180 = arith.constant 3 : i32
        %add3A_181 = vector.broadcast %add3A_180 : i32 to vector<16xi32>
        %add3A_182 = arith.addi %shift_left3A_123, %add3A_181 : vector<16xi32>
        %gather3A_183 = tpu.vector_load_idx %arg13[%shift_right_logical3A_119, %add3A_182] : memref<250x128xf32, #tpu.memory_space<vmem>>[vector<16xi32>, vector<16xi32>], vector<16xf32>,
        %add3A_184 = arith.addf %gather3A_175, %gather3A_183 : vector<16xf32>
        %sub3A_185 = arith.subf %add3A_184, %gather3A_179 : vector<16xf32>
        %mul3A_186 = arith.mulf %sub3A_185, %sub3A_185 : vector<16xf32>
        %add3A_187 = arith.addf %add3A_171, %mul3A_186 : vector<16xf32>
        %add3A_188 = arith.constant 4 : i32
        %add3A_189 = vector.broadcast %add3A_188 : i32 to vector<16xi32>
        %add3A_190 = arith.addi %shift_left3A_109, %add3A_189 : vector<16xi32>
        %gather3A_191 = tpu.vector_load_idx %arg14[%add3A_100, %add3A_190] : memref<128x128xf32, #tpu.memory_space<vmem>>[vector<16xi32>, vector<16xi32>], vector<16xf32>,
        %add3A_192 = arith.constant 4 : i32
        %add3A_193 = vector.broadcast %add3A_192 : i32 to vector<16xi32>
        %add3A_194 = arith.addi %shift_left3A_116, %add3A_193 : vector<16xi32>
        %gather3A_195 = tpu.vector_load_idx %arg16[%add3A_100, %add3A_194] : memref<128x128xf32, #tpu.memory_space<vmem>>[vector<16xi32>, vector<16xi32>], vector<16xf32>,
        %add3A_196 = arith.constant 4 : i32
        %add3A_197 = vector.broadcast %add3A_196 : i32 to vector<16xi32>
        %add3A_198 = arith.addi %shift_left3A_123, %add3A_197 : vector<16xi32>
        %gather3A_199 = tpu.vector_load_idx %arg13[%shift_right_logical3A_119, %add3A_198] : memref<250x128xf32, #tpu.memory_space<vmem>>[vector<16xi32>, vector<16xi32>], vector<16xf32>,
        %add3A_200 = arith.addf %gather3A_191, %gather3A_199 : vector<16xf32>
        %sub3A_201 = arith.subf %add3A_200, %gather3A_195 : vector<16xf32>
        %mul3A_202 = arith.mulf %sub3A_201, %sub3A_201 : vector<16xf32>
        %add3A_203 = arith.addf %add3A_187, %mul3A_202 : vector<16xf32>
        %add3A_204 = arith.constant 5 : i32
        %add3A_205 = vector.broadcast %add3A_204 : i32 to vector<16xi32>
        %add3A_206 = arith.addi %shift_left3A_109, %add3A_205 : vector<16xi32>
        %gather3A_207 = tpu.vector_load_idx %arg14[%add3A_100, %add3A_206] : memref<128x128xf32, #tpu.memory_space<vmem>>[vector<16xi32>, vector<16xi32>], vector<16xf32>,
        %add3A_208 = arith.constant 5 : i32
        %add3A_209 = vector.broadcast %add3A_208 : i32 to vector<16xi32>
        %add3A_210 = arith.addi %shift_left3A_116, %add3A_209 : vector<16xi32>
        %gather3A_211 = tpu.vector_load_idx %arg16[%add3A_100, %add3A_210] : memref<128x128xf32, #tpu.memory_space<vmem>>[vector<16xi32>, vector<16xi32>], vector<16xf32>,
        %add3A_212 = arith.constant 5 : i32
        %add3A_213 = vector.broadcast %add3A_212 : i32 to vector<16xi32>
        %add3A_214 = arith.addi %shift_left3A_123, %add3A_213 : vector<16xi32>
        %gather3A_215 = tpu.vector_load_idx %arg13[%shift_right_logical3A_119, %add3A_214] : memref<250x128xf32, #tpu.memory_space<vmem>>[vector<16xi32>, vector<16xi32>], vector<16xf32>,
        %add3A_216 = arith.addf %gather3A_207, %gather3A_215 : vector<16xf32>
        %sub3A_217 = arith.subf %add3A_216, %gather3A_211 : vector<16xf32>
        %mul3A_218 = arith.mulf %sub3A_217, %sub3A_217 : vector<16xf32>
        %add3A_219 = arith.addf %add3A_203, %mul3A_218 : vector<16xf32>
        %add3A_220 = arith.constant 6 : i32
        %add3A_221 = vector.broadcast %add3A_220 : i32 to vector<16xi32>
        %add3A_222 = arith.addi %shift_left3A_109, %add3A_221 : vector<16xi32>
        %gather3A_223 = tpu.vector_load_idx %arg14[%add3A_100, %add3A_222] : memref<128x128xf32, #tpu.memory_space<vmem>>[vector<16xi32>, vector<16xi32>], vector<16xf32>,
        %add3A_224 = arith.constant 6 : i32
        %add3A_225 = vector.broadcast %add3A_224 : i32 to vector<16xi32>
        %add3A_226 = arith.addi %shift_left3A_116, %add3A_225 : vector<16xi32>
        %gather3A_227 = tpu.vector_load_idx %arg16[%add3A_100, %add3A_226] : memref<128x128xf32, #tpu.memory_space<vmem>>[vector<16xi32>, vector<16xi32>], vector<16xf32>,
        %add3A_228 = arith.constant 6 : i32
        %add3A_229 = vector.broadcast %add3A_228 : i32 to vector<16xi32>
        %add3A_230 = arith.addi %shift_left3A_123, %add3A_229 : vector<16xi32>
        %gather3A_231 = tpu.vector_load_idx %arg13[%shift_right_logical3A_119, %add3A_230] : memref<250x128xf32, #tpu.memory_space<vmem>>[vector<16xi32>, vector<16xi32>], vector<16xf32>,
        %add3A_232 = arith.addf %gather3A_223, %gather3A_231 : vector<16xf32>
        %sub3A_233 = arith.subf %add3A_232, %gather3A_227 : vector<16xf32>
        %mul3A_234 = arith.mulf %sub3A_233, %sub3A_233 : vector<16xf32>
        %add3A_235 = arith.addf %add3A_219, %mul3A_234 : vector<16xf32>
        %add3A_236 = arith.constant 7 : i32
        %add3A_237 = vector.broadcast %add3A_236 : i32 to vector<16xi32>
        %add3A_238 = arith.addi %shift_left3A_109, %add3A_237 : vector<16xi32>
        %gather3A_239 = tpu.vector_load_idx %arg14[%add3A_100, %add3A_238] : memref<128x128xf32, #tpu.memory_space<vmem>>[vector<16xi32>, vector<16xi32>], vector<16xf32>,
        %add3A_240 = arith.constant 7 : i32
        %add3A_241 = vector.broadcast %add3A_240 : i32 to vector<16xi32>
        %add3A_242 = arith.addi %shift_left3A_116, %add3A_241 : vector<16xi32>
        %gather3A_243 = tpu.vector_load_idx %arg16[%add3A_100, %add3A_242] : memref<128x128xf32, #tpu.memory_space<vmem>>[vector<16xi32>, vector<16xi32>], vector<16xf32>,
        %add3A_244 = arith.constant 7 : i32
        %add3A_245 = vector.broadcast %add3A_244 : i32 to vector<16xi32>
        %add3A_246 = arith.addi %shift_left3A_123, %add3A_245 : vector<16xi32>
        %gather3A_247 = tpu.vector_load_idx %arg13[%shift_right_logical3A_119, %add3A_246] : memref<250x128xf32, #tpu.memory_space<vmem>>[vector<16xi32>, vector<16xi32>], vector<16xf32>,
        %add3A_248 = arith.addf %gather3A_239, %gather3A_247 : vector<16xf32>
        %sub3A_249 = arith.subf %add3A_248, %gather3A_243 : vector<16xf32>
        %mul3A_250 = arith.mulf %sub3A_249, %sub3A_249 : vector<16xf32>
        %add3A_251 = arith.addf %add3A_235, %mul3A_250 : vector<16xf32>
        %add3A_252 = arith.constant 8 : i32
        %add3A_253 = vector.broadcast %add3A_252 : i32 to vector<16xi32>
        %add3A_254 = arith.addi %shift_left3A_109, %add3A_253 : vector<16xi32>
        %gather3A_255 = tpu.vector_load_idx %arg14[%add3A_100, %add3A_254] : memref<128x128xf32, #tpu.memory_space<vmem>>[vector<16xi32>, vector<16xi32>], vector<16xf32>,
        %add3A_256 = arith.constant 8 : i32
        %add3A_257 = vector.broadcast %add3A_256 : i32 to vector<16xi32>
        %add3A_258 = arith.addi %shift_left3A_116, %add3A_257 : vector<16xi32>
        %gather3A_259 = tpu.vector_load_idx %arg16[%add3A_100, %add3A_258] : memref<128x128xf32, #tpu.memory_space<vmem>>[vector<16xi32>, vector<16xi32>], vector<16xf32>,
        %add3A_260 = arith.constant 8 : i32
        %add3A_261 = vector.broadcast %add3A_260 : i32 to vector<16xi32>
        %add3A_262 = arith.addi %shift_left3A_123, %add3A_261 : vector<16xi32>
        %gather3A_263 = tpu.vector_load_idx %arg13[%shift_right_logical3A_119, %add3A_262] : memref<250x128xf32, #tpu.memory_space<vmem>>[vector<16xi32>, vector<16xi32>], vector<16xf32>,
        %add3A_264 = arith.addf %gather3A_255, %gather3A_263 : vector<16xf32>
        %sub3A_265 = arith.subf %add3A_264, %gather3A_259 : vector<16xf32>
        %mul3A_266 = arith.mulf %sub3A_265, %sub3A_265 : vector<16xf32>
        %add3A_267 = arith.addf %add3A_251, %mul3A_266 : vector<16xf32>
        %add3A_268 = arith.constant 9 : i32
        %add3A_269 = vector.broadcast %add3A_268 : i32 to vector<16xi32>
        %add3A_270 = arith.addi %shift_left3A_109, %add3A_269 : vector<16xi32>
        %gather3A_271 = tpu.vector_load_idx %arg14[%add3A_100, %add3A_270] : memref<128x128xf32, #tpu.memory_space<vmem>>[vector<16xi32>, vector<16xi32>], vector<16xf32>,
        %add3A_272 = arith.constant 9 : i32
        %add3A_273 = vector.broadcast %add3A_272 : i32 to vector<16xi32>
        %add3A_274 = arith.addi %shift_left3A_116, %add3A_273 : vector<16xi32>
        %gather3A_275 = tpu.vector_load_idx %arg16[%add3A_100, %add3A_274] : memref<128x128xf32, #tpu.memory_space<vmem>>[vector<16xi32>, vector<16xi32>], vector<16xf32>,
        %add3A_276 = arith.constant 9 : i32
        %add3A_277 = vector.broadcast %add3A_276 : i32 to vector<16xi32>
        %add3A_278 = arith.addi %shift_left3A_123, %add3A_277 : vector<16xi32>
        %gather3A_279 = tpu.vector_load_idx %arg13[%shift_right_logical3A_119, %add3A_278] : memref<250x128xf32, #tpu.memory_space<vmem>>[vector<16xi32>, vector<16xi32>], vector<16xf32>,
        %add3A_280 = arith.addf %gather3A_271, %gather3A_279 : vector<16xf32>
        %sub3A_281 = arith.subf %add3A_280, %gather3A_275 : vector<16xf32>
        %mul3A_282 = arith.mulf %sub3A_281, %sub3A_281 : vector<16xf32>
        %add3A_283 = arith.addf %add3A_267, %mul3A_282 : vector<16xf32>
        %add3A_284 = arith.constant 10 : i32
        %add3A_285 = vector.broadcast %add3A_284 : i32 to vector<16xi32>
        %add3A_286 = arith.addi %shift_left3A_109, %add3A_285 : vector<16xi32>
        %gather3A_287 = tpu.vector_load_idx %arg14[%add3A_100, %add3A_286] : memref<128x128xf32, #tpu.memory_space<vmem>>[vector<16xi32>, vector<16xi32>], vector<16xf32>,
        %add3A_288 = arith.constant 10 : i32
        %add3A_289 = vector.broadcast %add3A_288 : i32 to vector<16xi32>
        %add3A_290 = arith.addi %shift_left3A_116, %add3A_289 : vector<16xi32>
        %gather3A_291 = tpu.vector_load_idx %arg16[%add3A_100, %add3A_290] : memref<128x128xf32, #tpu.memory_space<vmem>>[vector<16xi32>, vector<16xi32>], vector<16xf32>,
        %add3A_292 = arith.constant 10 : i32
        %add3A_293 = vector.broadcast %add3A_292 : i32 to vector<16xi32>
        %add3A_294 = arith.addi %shift_left3A_123, %add3A_293 : vector<16xi32>
        %gather3A_295 = tpu.vector_load_idx %arg13[%shift_right_logical3A_119, %add3A_294] : memref<250x128xf32, #tpu.memory_space<vmem>>[vector<16xi32>, vector<16xi32>], vector<16xf32>,
        %add3A_296 = arith.addf %gather3A_287, %gather3A_295 : vector<16xf32>
        %sub3A_297 = arith.subf %add3A_296, %gather3A_291 : vector<16xf32>
        %mul3A_298 = arith.mulf %sub3A_297, %sub3A_297 : vector<16xf32>
        %add3A_299 = arith.addf %add3A_283, %mul3A_298 : vector<16xf32>
        %add3A_300 = arith.constant 11 : i32
        %add3A_301 = vector.broadcast %add3A_300 : i32 to vector<16xi32>
        %add3A_302 = arith.addi %shift_left3A_109, %add3A_301 : vector<16xi32>
        %gather3A_303 = tpu.vector_load_idx %arg14[%add3A_100, %add3A_302] : memref<128x128xf32, #tpu.memory_space<vmem>>[vector<16xi32>, vector<16xi32>], vector<16xf32>,
        %add3A_304 = arith.constant 11 : i32
        %add3A_305 = vector.broadcast %add3A_304 : i32 to vector<16xi32>
        %add3A_306 = arith.addi %shift_left3A_116, %add3A_305 : vector<16xi32>
        %gather3A_307 = tpu.vector_load_idx %arg16[%add3A_100, %add3A_306] : memref<128x128xf32, #tpu.memory_space<vmem>>[vector<16xi32>, vector<16xi32>], vector<16xf32>,
        %add3A_308 = arith.constant 11 : i32
        %add3A_309 = vector.broadcast %add3A_308 : i32 to vector<16xi32>
        %add3A_310 = arith.addi %shift_left3A_123, %add3A_309 : vector<16xi32>
        %gather3A_311 = tpu.vector_load_idx %arg13[%shift_right_logical3A_119, %add3A_310] : memref<250x128xf32, #tpu.memory_space<vmem>>[vector<16xi32>, vector<16xi32>], vector<16xf32>,
        %add3A_312 = arith.addf %gather3A_303, %gather3A_311 : vector<16xf32>
        %sub3A_313 = arith.subf %add3A_312, %gather3A_307 : vector<16xf32>
        %mul3A_314 = arith.mulf %sub3A_313, %sub3A_313 : vector<16xf32>
        %add3A_315 = arith.addf %add3A_299, %mul3A_314 : vector<16xf32>
        %add3A_316 = arith.constant 12 : i32
        %add3A_317 = vector.broadcast %add3A_316 : i32 to vector<16xi32>
        %add3A_318 = arith.addi %shift_left3A_109, %add3A_317 : vector<16xi32>
        %gather3A_319 = tpu.vector_load_idx %arg14[%add3A_100, %add3A_318] : memref<128x128xf32, #tpu.memory_space<vmem>>[vector<16xi32>, vector<16xi32>], vector<16xf32>,
        %add3A_320 = arith.constant 12 : i32
        %add3A_321 = vector.broadcast %add3A_320 : i32 to vector<16xi32>
        %add3A_322 = arith.addi %shift_left3A_116, %add3A_321 : vector<16xi32>
        %gather3A_323 = tpu.vector_load_idx %arg16[%add3A_100, %add3A_322] : memref<128x128xf32, #tpu.memory_space<vmem>>[vector<16xi32>, vector<16xi32>], vector<16xf32>,
        %add3A_324 = arith.constant 12 : i32
        %add3A_325 = vector.broadcast %add3A_324 : i32 to vector<16xi32>
        %add3A_326 = arith.addi %shift_left3A_123, %add3A_325 : vector<16xi32>
        %gather3A_327 = tpu.vector_load_idx %arg13[%shift_right_logical3A_119, %add3A_326] : memref<250x128xf32, #tpu.memory_space<vmem>>[vector<16xi32>, vector<16xi32>], vector<16xf32>,
        %add3A_328 = arith.addf %gather3A_319, %gather3A_327 : vector<16xf32>
        %sub3A_329 = arith.subf %add3A_328, %gather3A_323 : vector<16xf32>
        %mul3A_330 = arith.mulf %sub3A_329, %sub3A_329 : vector<16xf32>
        %add3A_331 = arith.addf %add3A_315, %mul3A_330 : vector<16xf32>
        %add3A_332 = arith.constant 13 : i32
        %add3A_333 = vector.broadcast %add3A_332 : i32 to vector<16xi32>
        %add3A_334 = arith.addi %shift_left3A_109, %add3A_333 : vector<16xi32>
        %gather3A_335 = tpu.vector_load_idx %arg14[%add3A_100, %add3A_334] : memref<128x128xf32, #tpu.memory_space<vmem>>[vector<16xi32>, vector<16xi32>], vector<16xf32>,
        %add3A_336 = arith.constant 13 : i32
        %add3A_337 = vector.broadcast %add3A_336 : i32 to vector<16xi32>
        %add3A_338 = arith.addi %shift_left3A_116, %add3A_337 : vector<16xi32>
        %gather3A_339 = tpu.vector_load_idx %arg16[%add3A_100, %add3A_338] : memref<128x128xf32, #tpu.memory_space<vmem>>[vector<16xi32>, vector<16xi32>], vector<16xf32>,
        %add3A_340 = arith.constant 13 : i32
        %add3A_341 = vector.broadcast %add3A_340 : i32 to vector<16xi32>
        %add3A_342 = arith.addi %shift_left3A_123, %add3A_341 : vector<16xi32>
        %gather3A_343 = tpu.vector_load_idx %arg13[%shift_right_logical3A_119, %add3A_342] : memref<250x128xf32, #tpu.memory_space<vmem>>[vector<16xi32>, vector<16xi32>], vector<16xf32>,
        %add3A_344 = arith.addf %gather3A_335, %gather3A_343 : vector<16xf32>
        %sub3A_345 = arith.subf %add3A_344, %gather3A_339 : vector<16xf32>
        %mul3A_346 = arith.mulf %sub3A_345, %sub3A_345 : vector<16xf32>
        %add3A_347 = arith.addf %add3A_331, %mul3A_346 : vector<16xf32>
        %add3A_348 = arith.constant 14 : i32
        %add3A_349 = vector.broadcast %add3A_348 : i32 to vector<16xi32>
        %add3A_350 = arith.addi %shift_left3A_109, %add3A_349 : vector<16xi32>
        %gather3A_351 = tpu.vector_load_idx %arg14[%add3A_100, %add3A_350] : memref<128x128xf32, #tpu.memory_space<vmem>>[vector<16xi32>, vector<16xi32>], vector<16xf32>,
        %add3A_352 = arith.constant 14 : i32
        %add3A_353 = vector.broadcast %add3A_352 : i32 to vector<16xi32>
        %add3A_354 = arith.addi %shift_left3A_116, %add3A_353 : vector<16xi32>
        %gather3A_355 = tpu.vector_load_idx %arg16[%add3A_100, %add3A_354] : memref<128x128xf32, #tpu.memory_space<vmem>>[vector<16xi32>, vector<16xi32>], vector<16xf32>,
        %add3A_356 = arith.constant 14 : i32
        %add3A_357 = vector.broadcast %add3A_356 : i32 to vector<16xi32>
        %add3A_358 = arith.addi %shift_left3A_123, %add3A_357 : vector<16xi32>
        %gather3A_359 = tpu.vector_load_idx %arg13[%shift_right_logical3A_119, %add3A_358] : memref<250x128xf32, #tpu.memory_space<vmem>>[vector<16xi32>, vector<16xi32>], vector<16xf32>,
        %add3A_360 = arith.addf %gather3A_351, %gather3A_359 : vector<16xf32>
        %sub3A_361 = arith.subf %add3A_360, %gather3A_355 : vector<16xf32>
        %mul3A_362 = arith.mulf %sub3A_361, %sub3A_361 : vector<16xf32>
        %add3A_363 = arith.addf %add3A_347, %mul3A_362 : vector<16xf32>
        %add3A_364 = arith.constant 15 : i32
        %add3A_365 = vector.broadcast %add3A_364 : i32 to vector<16xi32>
        %add3A_366 = arith.addi %shift_left3A_109, %add3A_365 : vector<16xi32>
        %gather3A_367 = tpu.vector_load_idx %arg14[%add3A_100, %add3A_366] : memref<128x128xf32, #tpu.memory_space<vmem>>[vector<16xi32>, vector<16xi32>], vector<16xf32>,
        %add3A_368 = arith.constant 15 : i32
        %add3A_369 = vector.broadcast %add3A_368 : i32 to vector<16xi32>
        %add3A_370 = arith.addi %shift_left3A_116, %add3A_369 : vector<16xi32>
        %gather3A_371 = tpu.vector_load_idx %arg16[%add3A_100, %add3A_370] : memref<128x128xf32, #tpu.memory_space<vmem>>[vector<16xi32>, vector<16xi32>], vector<16xf32>,
        %add3A_372 = arith.constant 15 : i32
        %add3A_373 = vector.broadcast %add3A_372 : i32 to vector<16xi32>
        %add3A_374 = arith.addi %shift_left3A_123, %add3A_373 : vector<16xi32>
        %gather3A_375 = tpu.vector_load_idx %arg13[%shift_right_logical3A_119, %add3A_374] : memref<250x128xf32, #tpu.memory_space<vmem>>[vector<16xi32>, vector<16xi32>], vector<16xf32>,
        %add3A_376 = arith.addf %gather3A_367, %gather3A_375 : vector<16xf32>
        %sub3A_377 = arith.subf %add3A_376, %gather3A_371 : vector<16xf32>
        %mul3A_378 = arith.mulf %sub3A_377, %sub3A_377 : vector<16xf32>
        %add3A_379 = arith.addf %add3A_363, %mul3A_378 : vector<16xf32>
        %add3A_380 = arith.constant 16 : i32
        %add3A_381 = vector.broadcast %add3A_380 : i32 to vector<16xi32>
        %add3A_382 = arith.addi %shift_left3A_109, %add3A_381 : vector<16xi32>
        %gather3A_383 = tpu.vector_load_idx %arg14[%add3A_100, %add3A_382] : memref<128x128xf32, #tpu.memory_space<vmem>>[vector<16xi32>, vector<16xi32>], vector<16xf32>,
        %add3A_384 = arith.constant 16 : i32
        %add3A_385 = vector.broadcast %add3A_384 : i32 to vector<16xi32>
        %add3A_386 = arith.addi %shift_left3A_116, %add3A_385 : vector<16xi32>
        %gather3A_387 = tpu.vector_load_idx %arg16[%add3A_100, %add3A_386] : memref<128x128xf32, #tpu.memory_space<vmem>>[vector<16xi32>, vector<16xi32>], vector<16xf32>,
        %add3A_388 = arith.constant 16 : i32
        %add3A_389 = vector.broadcast %add3A_388 : i32 to vector<16xi32>
        %add3A_390 = arith.addi %shift_left3A_123, %add3A_389 : vector<16xi32>
        %gather3A_391 = tpu.vector_load_idx %arg13[%shift_right_logical3A_119, %add3A_390] : memref<250x128xf32, #tpu.memory_space<vmem>>[vector<16xi32>, vector<16xi32>], vector<16xf32>,
        %add3A_392 = arith.addf %gather3A_383, %gather3A_391 : vector<16xf32>
        %sub3A_393 = arith.subf %add3A_392, %gather3A_387 : vector<16xf32>
        %mul3A_394 = arith.mulf %sub3A_393, %sub3A_393 : vector<16xf32>
        %add3A_395 = arith.addf %add3A_379, %mul3A_394 : vector<16xf32>
        %add3A_396 = arith.constant 17 : i32
        %add3A_397 = vector.broadcast %add3A_396 : i32 to vector<16xi32>
        %add3A_398 = arith.addi %shift_left3A_109, %add3A_397 : vector<16xi32>
        %gather3A_399 = tpu.vector_load_idx %arg14[%add3A_100, %add3A_398] : memref<128x128xf32, #tpu.memory_space<vmem>>[vector<16xi32>, vector<16xi32>], vector<16xf32>,
        %add3A_400 = arith.constant 17 : i32
        %add3A_401 = vector.broadcast %add3A_400 : i32 to vector<16xi32>
        %add3A_402 = arith.addi %shift_left3A_116, %add3A_401 : vector<16xi32>
        %gather3A_403 = tpu.vector_load_idx %arg16[%add3A_100, %add3A_402] : memref<128x128xf32, #tpu.memory_space<vmem>>[vector<16xi32>, vector<16xi32>], vector<16xf32>,
        %add3A_404 = arith.constant 17 : i32
        %add3A_405 = vector.broadcast %add3A_404 : i32 to vector<16xi32>
        %add3A_406 = arith.addi %shift_left3A_123, %add3A_405 : vector<16xi32>
        %gather3A_407 = tpu.vector_load_idx %arg13[%shift_right_logical3A_119, %add3A_406] : memref<250x128xf32, #tpu.memory_space<vmem>>[vector<16xi32>, vector<16xi32>], vector<16xf32>,
        %add3A_408 = arith.addf %gather3A_399, %gather3A_407 : vector<16xf32>
        %sub3A_409 = arith.subf %add3A_408, %gather3A_403 : vector<16xf32>
        %mul3A_410 = arith.mulf %sub3A_409, %sub3A_409 : vector<16xf32>
        %add3A_411 = arith.addf %add3A_395, %mul3A_410 : vector<16xf32>
        %add3A_412 = arith.constant 18 : i32
        %add3A_413 = vector.broadcast %add3A_412 : i32 to vector<16xi32>
        %add3A_414 = arith.addi %shift_left3A_109, %add3A_413 : vector<16xi32>
        %gather3A_415 = tpu.vector_load_idx %arg14[%add3A_100, %add3A_414] : memref<128x128xf32, #tpu.memory_space<vmem>>[vector<16xi32>, vector<16xi32>], vector<16xf32>,
        %add3A_416 = arith.constant 18 : i32
        %add3A_417 = vector.broadcast %add3A_416 : i32 to vector<16xi32>
        %add3A_418 = arith.addi %shift_left3A_116, %add3A_417 : vector<16xi32>
        %gather3A_419 = tpu.vector_load_idx %arg16[%add3A_100, %add3A_418] : memref<128x128xf32, #tpu.memory_space<vmem>>[vector<16xi32>, vector<16xi32>], vector<16xf32>,
        %add3A_420 = arith.constant 18 : i32
        %add3A_421 = vector.broadcast %add3A_420 : i32 to vector<16xi32>
        %add3A_422 = arith.addi %shift_left3A_123, %add3A_421 : vector<16xi32>
        %gather3A_423 = tpu.vector_load_idx %arg13[%shift_right_logical3A_119, %add3A_422] : memref<250x128xf32, #tpu.memory_space<vmem>>[vector<16xi32>, vector<16xi32>], vector<16xf32>,
        %add3A_424 = arith.addf %gather3A_415, %gather3A_423 : vector<16xf32>
        %sub3A_425 = arith.subf %add3A_424, %gather3A_419 : vector<16xf32>
        %mul3A_426 = arith.mulf %sub3A_425, %sub3A_425 : vector<16xf32>
        %add3A_427 = arith.addf %add3A_411, %mul3A_426 : vector<16xf32>
        %add3A_428 = arith.constant 19 : i32
        %add3A_429 = vector.broadcast %add3A_428 : i32 to vector<16xi32>
        %add3A_430 = arith.addi %shift_left3A_109, %add3A_429 : vector<16xi32>
        %gather3A_431 = tpu.vector_load_idx %arg14[%add3A_100, %add3A_430] : memref<128x128xf32, #tpu.memory_space<vmem>>[vector<16xi32>, vector<16xi32>], vector<16xf32>,
        %add3A_432 = arith.constant 19 : i32
        %add3A_433 = vector.broadcast %add3A_432 : i32 to vector<16xi32>
        %add3A_434 = arith.addi %shift_left3A_116, %add3A_433 : vector<16xi32>
        %gather3A_435 = tpu.vector_load_idx %arg16[%add3A_100, %add3A_434] : memref<128x128xf32, #tpu.memory_space<vmem>>[vector<16xi32>, vector<16xi32>], vector<16xf32>,
        %add3A_436 = arith.constant 19 : i32
        %add3A_437 = vector.broadcast %add3A_436 : i32 to vector<16xi32>
        %add3A_438 = arith.addi %shift_left3A_123, %add3A_437 : vector<16xi32>
        %gather3A_439 = tpu.vector_load_idx %arg13[%shift_right_logical3A_119, %add3A_438] : memref<250x128xf32, #tpu.memory_space<vmem>>[vector<16xi32>, vector<16xi32>], vector<16xf32>,
        %add3A_440 = arith.addf %gather3A_431, %gather3A_439 : vector<16xf32>
        %sub3A_441 = arith.subf %add3A_440, %gather3A_435 : vector<16xf32>
        %mul3A_442 = arith.mulf %sub3A_441, %sub3A_441 : vector<16xf32>
        %add3A_443 = arith.addf %add3A_427, %mul3A_442 : vector<16xf32>
        %add3A_444 = arith.constant 20 : i32
        %add3A_445 = vector.broadcast %add3A_444 : i32 to vector<16xi32>
        %add3A_446 = arith.addi %shift_left3A_109, %add3A_445 : vector<16xi32>
        %gather3A_447 = tpu.vector_load_idx %arg14[%add3A_100, %add3A_446] : memref<128x128xf32, #tpu.memory_space<vmem>>[vector<16xi32>, vector<16xi32>], vector<16xf32>,
        %add3A_448 = arith.constant 20 : i32
        %add3A_449 = vector.broadcast %add3A_448 : i32 to vector<16xi32>
        %add3A_450 = arith.addi %shift_left3A_116, %add3A_449 : vector<16xi32>
        %gather3A_451 = tpu.vector_load_idx %arg16[%add3A_100, %add3A_450] : memref<128x128xf32, #tpu.memory_space<vmem>>[vector<16xi32>, vector<16xi32>], vector<16xf32>,
        %add3A_452 = arith.constant 20 : i32
        %add3A_453 = vector.broadcast %add3A_452 : i32 to vector<16xi32>
        %add3A_454 = arith.addi %shift_left3A_123, %add3A_453 : vector<16xi32>
        %gather3A_455 = tpu.vector_load_idx %arg13[%shift_right_logical3A_119, %add3A_454] : memref<250x128xf32, #tpu.memory_space<vmem>>[vector<16xi32>, vector<16xi32>], vector<16xf32>,
        %add3A_456 = arith.addf %gather3A_447, %gather3A_455 : vector<16xf32>
        %sub3A_457 = arith.subf %add3A_456, %gather3A_451 : vector<16xf32>
        %mul3A_458 = arith.mulf %sub3A_457, %sub3A_457 : vector<16xf32>
        %add3A_459 = arith.addf %add3A_443, %mul3A_458 : vector<16xf32>
        %add3A_460 = arith.constant 21 : i32
        %add3A_461 = vector.broadcast %add3A_460 : i32 to vector<16xi32>
        %add3A_462 = arith.addi %shift_left3A_109, %add3A_461 : vector<16xi32>
        %gather3A_463 = tpu.vector_load_idx %arg14[%add3A_100, %add3A_462] : memref<128x128xf32, #tpu.memory_space<vmem>>[vector<16xi32>, vector<16xi32>], vector<16xf32>,
        %add3A_464 = arith.constant 21 : i32
        %add3A_465 = vector.broadcast %add3A_464 : i32 to vector<16xi32>
        %add3A_466 = arith.addi %shift_left3A_116, %add3A_465 : vector<16xi32>
        %gather3A_467 = tpu.vector_load_idx %arg16[%add3A_100, %add3A_466] : memref<128x128xf32, #tpu.memory_space<vmem>>[vector<16xi32>, vector<16xi32>], vector<16xf32>,
        %add3A_468 = arith.constant 21 : i32
        %add3A_469 = vector.broadcast %add3A_468 : i32 to vector<16xi32>
        %add3A_470 = arith.addi %shift_left3A_123, %add3A_469 : vector<16xi32>
        %gather3A_471 = tpu.vector_load_idx %arg13[%shift_right_logical3A_119, %add3A_470] : memref<250x128xf32, #tpu.memory_space<vmem>>[vector<16xi32>, vector<16xi32>], vector<16xf32>,
        %add3A_472 = arith.addf %gather3A_463, %gather3A_471 : vector<16xf32>
        %sub3A_473 = arith.subf %add3A_472, %gather3A_467 : vector<16xf32>
        %mul3A_474 = arith.mulf %sub3A_473, %sub3A_473 : vector<16xf32>
        %add3A_475 = arith.addf %add3A_459, %mul3A_474 : vector<16xf32>
        %add3A_476 = arith.constant 22 : i32
        %add3A_477 = vector.broadcast %add3A_476 : i32 to vector<16xi32>
        %add3A_478 = arith.addi %shift_left3A_109, %add3A_477 : vector<16xi32>
        %gather3A_479 = tpu.vector_load_idx %arg14[%add3A_100, %add3A_478] : memref<128x128xf32, #tpu.memory_space<vmem>>[vector<16xi32>, vector<16xi32>], vector<16xf32>,
        %add3A_480 = arith.constant 22 : i32
        %add3A_481 = vector.broadcast %add3A_480 : i32 to vector<16xi32>
        %add3A_482 = arith.addi %shift_left3A_116, %add3A_481 : vector<16xi32>
        %gather3A_483 = tpu.vector_load_idx %arg16[%add3A_100, %add3A_482] : memref<128x128xf32, #tpu.memory_space<vmem>>[vector<16xi32>, vector<16xi32>], vector<16xf32>,
        %add3A_484 = arith.constant 22 : i32
        %add3A_485 = vector.broadcast %add3A_484 : i32 to vector<16xi32>
        %add3A_486 = arith.addi %shift_left3A_123, %add3A_485 : vector<16xi32>
        %gather3A_487 = tpu.vector_load_idx %arg13[%shift_right_logical3A_119, %add3A_486] : memref<250x128xf32, #tpu.memory_space<vmem>>[vector<16xi32>, vector<16xi32>], vector<16xf32>,
        %add3A_488 = arith.addf %gather3A_479, %gather3A_487 : vector<16xf32>
        %sub3A_489 = arith.subf %add3A_488, %gather3A_483 : vector<16xf32>
        %mul3A_490 = arith.mulf %sub3A_489, %sub3A_489 : vector<16xf32>
        %add3A_491 = arith.addf %add3A_475, %mul3A_490 : vector<16xf32>
        %add3A_492 = arith.constant 23 : i32
        %add3A_493 = vector.broadcast %add3A_492 : i32 to vector<16xi32>
        %add3A_494 = arith.addi %shift_left3A_109, %add3A_493 : vector<16xi32>
        %gather3A_495 = tpu.vector_load_idx %arg14[%add3A_100, %add3A_494] : memref<128x128xf32, #tpu.memory_space<vmem>>[vector<16xi32>, vector<16xi32>], vector<16xf32>,
        %add3A_496 = arith.constant 23 : i32
        %add3A_497 = vector.broadcast %add3A_496 : i32 to vector<16xi32>
        %add3A_498 = arith.addi %shift_left3A_116, %add3A_497 : vector<16xi32>
        %gather3A_499 = tpu.vector_load_idx %arg16[%add3A_100, %add3A_498] : memref<128x128xf32, #tpu.memory_space<vmem>>[vector<16xi32>, vector<16xi32>], vector<16xf32>,
        %add3A_500 = arith.constant 23 : i32
        %add3A_501 = vector.broadcast %add3A_500 : i32 to vector<16xi32>
        %add3A_502 = arith.addi %shift_left3A_123, %add3A_501 : vector<16xi32>
        %gather3A_503 = tpu.vector_load_idx %arg13[%shift_right_logical3A_119, %add3A_502] : memref<250x128xf32, #tpu.memory_space<vmem>>[vector<16xi32>, vector<16xi32>], vector<16xf32>,
        %add3A_504 = arith.addf %gather3A_495, %gather3A_503 : vector<16xf32>
        %sub3A_505 = arith.subf %add3A_504, %gather3A_499 : vector<16xf32>
        %mul3A_506 = arith.mulf %sub3A_505, %sub3A_505 : vector<16xf32>
        %add3A_507 = arith.addf %add3A_491, %mul3A_506 : vector<16xf32>
        %add3A_508 = arith.constant 24 : i32
        %add3A_509 = vector.broadcast %add3A_508 : i32 to vector<16xi32>
        %add3A_510 = arith.addi %shift_left3A_109, %add3A_509 : vector<16xi32>
        %gather3A_511 = tpu.vector_load_idx %arg14[%add3A_100, %add3A_510] : memref<128x128xf32, #tpu.memory_space<vmem>>[vector<16xi32>, vector<16xi32>], vector<16xf32>,
        %add3A_512 = arith.constant 24 : i32
        %add3A_513 = vector.broadcast %add3A_512 : i32 to vector<16xi32>
        %add3A_514 = arith.addi %shift_left3A_116, %add3A_513 : vector<16xi32>
        %gather3A_515 = tpu.vector_load_idx %arg16[%add3A_100, %add3A_514] : memref<128x128xf32, #tpu.memory_space<vmem>>[vector<16xi32>, vector<16xi32>], vector<16xf32>,
        %add3A_516 = arith.constant 24 : i32
        %add3A_517 = vector.broadcast %add3A_516 : i32 to vector<16xi32>
        %add3A_518 = arith.addi %shift_left3A_123, %add3A_517 : vector<16xi32>
        %gather3A_519 = tpu.vector_load_idx %arg13[%shift_right_logical3A_119, %add3A_518] : memref<250x128xf32, #tpu.memory_space<vmem>>[vector<16xi32>, vector<16xi32>], vector<16xf32>,
        %add3A_520 = arith.addf %gather3A_511, %gather3A_519 : vector<16xf32>
        %sub3A_521 = arith.subf %add3A_520, %gather3A_515 : vector<16xf32>
        %mul3A_522 = arith.mulf %sub3A_521, %sub3A_521 : vector<16xf32>
        %add3A_523 = arith.addf %add3A_507, %mul3A_522 : vector<16xf32>
        %add3A_524 = arith.constant 25 : i32
        %add3A_525 = vector.broadcast %add3A_524 : i32 to vector<16xi32>
        %add3A_526 = arith.addi %shift_left3A_109, %add3A_525 : vector<16xi32>
        %gather3A_527 = tpu.vector_load_idx %arg14[%add3A_100, %add3A_526] : memref<128x128xf32, #tpu.memory_space<vmem>>[vector<16xi32>, vector<16xi32>], vector<16xf32>,
        %add3A_528 = arith.constant 25 : i32
        %add3A_529 = vector.broadcast %add3A_528 : i32 to vector<16xi32>
        %add3A_530 = arith.addi %shift_left3A_116, %add3A_529 : vector<16xi32>
        %gather3A_531 = tpu.vector_load_idx %arg16[%add3A_100, %add3A_530] : memref<128x128xf32, #tpu.memory_space<vmem>>[vector<16xi32>, vector<16xi32>], vector<16xf32>,
        %add3A_532 = arith.constant 25 : i32
        %add3A_533 = vector.broadcast %add3A_532 : i32 to vector<16xi32>
        %add3A_534 = arith.addi %shift_left3A_123, %add3A_533 : vector<16xi32>
        %gather3A_535 = tpu.vector_load_idx %arg13[%shift_right_logical3A_119, %add3A_534] : memref<250x128xf32, #tpu.memory_space<vmem>>[vector<16xi32>, vector<16xi32>], vector<16xf32>,
        %add3A_536 = arith.addf %gather3A_527, %gather3A_535 : vector<16xf32>
        %sub3A_537 = arith.subf %add3A_536, %gather3A_531 : vector<16xf32>
        %mul3A_538 = arith.mulf %sub3A_537, %sub3A_537 : vector<16xf32>
        %add3A_539 = arith.addf %add3A_523, %mul3A_538 : vector<16xf32>
        %add3A_540 = arith.constant 26 : i32
        %add3A_541 = vector.broadcast %add3A_540 : i32 to vector<16xi32>
        %add3A_542 = arith.addi %shift_left3A_109, %add3A_541 : vector<16xi32>
        %gather3A_543 = tpu.vector_load_idx %arg14[%add3A_100, %add3A_542] : memref<128x128xf32, #tpu.memory_space<vmem>>[vector<16xi32>, vector<16xi32>], vector<16xf32>,
        %add3A_544 = arith.constant 26 : i32
        %add3A_545 = vector.broadcast %add3A_544 : i32 to vector<16xi32>
        %add3A_546 = arith.addi %shift_left3A_116, %add3A_545 : vector<16xi32>
        %gather3A_547 = tpu.vector_load_idx %arg16[%add3A_100, %add3A_546] : memref<128x128xf32, #tpu.memory_space<vmem>>[vector<16xi32>, vector<16xi32>], vector<16xf32>,
        %add3A_548 = arith.constant 26 : i32
        %add3A_549 = vector.broadcast %add3A_548 : i32 to vector<16xi32>
        %add3A_550 = arith.addi %shift_left3A_123, %add3A_549 : vector<16xi32>
        %gather3A_551 = tpu.vector_load_idx %arg13[%shift_right_logical3A_119, %add3A_550] : memref<250x128xf32, #tpu.memory_space<vmem>>[vector<16xi32>, vector<16xi32>], vector<16xf32>,
        %add3A_552 = arith.addf %gather3A_543, %gather3A_551 : vector<16xf32>
        %sub3A_553 = arith.subf %add3A_552, %gather3A_547 : vector<16xf32>
        %mul3A_554 = arith.mulf %sub3A_553, %sub3A_553 : vector<16xf32>
        %add3A_555 = arith.addf %add3A_539, %mul3A_554 : vector<16xf32>
        %add3A_556 = arith.constant 27 : i32
        %add3A_557 = vector.broadcast %add3A_556 : i32 to vector<16xi32>
        %add3A_558 = arith.addi %shift_left3A_109, %add3A_557 : vector<16xi32>
        %gather3A_559 = tpu.vector_load_idx %arg14[%add3A_100, %add3A_558] : memref<128x128xf32, #tpu.memory_space<vmem>>[vector<16xi32>, vector<16xi32>], vector<16xf32>,
        %add3A_560 = arith.constant 27 : i32
        %add3A_561 = vector.broadcast %add3A_560 : i32 to vector<16xi32>
        %add3A_562 = arith.addi %shift_left3A_116, %add3A_561 : vector<16xi32>
        %gather3A_563 = tpu.vector_load_idx %arg16[%add3A_100, %add3A_562] : memref<128x128xf32, #tpu.memory_space<vmem>>[vector<16xi32>, vector<16xi32>], vector<16xf32>,
        %add3A_564 = arith.constant 27 : i32
        %add3A_565 = vector.broadcast %add3A_564 : i32 to vector<16xi32>
        %add3A_566 = arith.addi %shift_left3A_123, %add3A_565 : vector<16xi32>
        %gather3A_567 = tpu.vector_load_idx %arg13[%shift_right_logical3A_119, %add3A_566] : memref<250x128xf32, #tpu.memory_space<vmem>>[vector<16xi32>, vector<16xi32>], vector<16xf32>,
        %add3A_568 = arith.addf %gather3A_559, %gather3A_567 : vector<16xf32>
        %sub3A_569 = arith.subf %add3A_568, %gather3A_563 : vector<16xf32>
        %mul3A_570 = arith.mulf %sub3A_569, %sub3A_569 : vector<16xf32>
        %add3A_571 = arith.addf %add3A_555, %mul3A_570 : vector<16xf32>
        %add3A_572 = arith.constant 28 : i32
        %add3A_573 = vector.broadcast %add3A_572 : i32 to vector<16xi32>
        %add3A_574 = arith.addi %shift_left3A_109, %add3A_573 : vector<16xi32>
        %gather3A_575 = tpu.vector_load_idx %arg14[%add3A_100, %add3A_574] : memref<128x128xf32, #tpu.memory_space<vmem>>[vector<16xi32>, vector<16xi32>], vector<16xf32>,
        %add3A_576 = arith.constant 28 : i32
        %add3A_577 = vector.broadcast %add3A_576 : i32 to vector<16xi32>
        %add3A_578 = arith.addi %shift_left3A_116, %add3A_577 : vector<16xi32>
        %gather3A_579 = tpu.vector_load_idx %arg16[%add3A_100, %add3A_578] : memref<128x128xf32, #tpu.memory_space<vmem>>[vector<16xi32>, vector<16xi32>], vector<16xf32>,
        %add3A_580 = arith.constant 28 : i32
        %add3A_581 = vector.broadcast %add3A_580 : i32 to vector<16xi32>
        %add3A_582 = arith.addi %shift_left3A_123, %add3A_581 : vector<16xi32>
        %gather3A_583 = tpu.vector_load_idx %arg13[%shift_right_logical3A_119, %add3A_582] : memref<250x128xf32, #tpu.memory_space<vmem>>[vector<16xi32>, vector<16xi32>], vector<16xf32>,
        %add3A_584 = arith.addf %gather3A_575, %gather3A_583 : vector<16xf32>
        %sub3A_585 = arith.subf %add3A_584, %gather3A_579 : vector<16xf32>
        %mul3A_586 = arith.mulf %sub3A_585, %sub3A_585 : vector<16xf32>
        %add3A_587 = arith.addf %add3A_571, %mul3A_586 : vector<16xf32>
        %add3A_588 = arith.constant 29 : i32
        %add3A_589 = vector.broadcast %add3A_588 : i32 to vector<16xi32>
        %add3A_590 = arith.addi %shift_left3A_109, %add3A_589 : vector<16xi32>
        %gather3A_591 = tpu.vector_load_idx %arg14[%add3A_100, %add3A_590] : memref<128x128xf32, #tpu.memory_space<vmem>>[vector<16xi32>, vector<16xi32>], vector<16xf32>,
        %add3A_592 = arith.constant 29 : i32
        %add3A_593 = vector.broadcast %add3A_592 : i32 to vector<16xi32>
        %add3A_594 = arith.addi %shift_left3A_116, %add3A_593 : vector<16xi32>
        %gather3A_595 = tpu.vector_load_idx %arg16[%add3A_100, %add3A_594] : memref<128x128xf32, #tpu.memory_space<vmem>>[vector<16xi32>, vector<16xi32>], vector<16xf32>,
        %add3A_596 = arith.constant 29 : i32
        %add3A_597 = vector.broadcast %add3A_596 : i32 to vector<16xi32>
        %add3A_598 = arith.addi %shift_left3A_123, %add3A_597 : vector<16xi32>
        %gather3A_599 = tpu.vector_load_idx %arg13[%shift_right_logical3A_119, %add3A_598] : memref<250x128xf32, #tpu.memory_space<vmem>>[vector<16xi32>, vector<16xi32>], vector<16xf32>,
        %add3A_600 = arith.addf %gather3A_591, %gather3A_599 : vector<16xf32>
        %sub3A_601 = arith.subf %add3A_600, %gather3A_595 : vector<16xf32>
        %mul3A_602 = arith.mulf %sub3A_601, %sub3A_601 : vector<16xf32>
        %add3A_603 = arith.addf %add3A_587, %mul3A_602 : vector<16xf32>
        %add3A_604 = arith.constant 30 : i32
        %add3A_605 = vector.broadcast %add3A_604 : i32 to vector<16xi32>
        %add3A_606 = arith.addi %shift_left3A_109, %add3A_605 : vector<16xi32>
        %gather3A_607 = tpu.vector_load_idx %arg14[%add3A_100, %add3A_606] : memref<128x128xf32, #tpu.memory_space<vmem>>[vector<16xi32>, vector<16xi32>], vector<16xf32>,
        %add3A_608 = arith.constant 30 : i32
        %add3A_609 = vector.broadcast %add3A_608 : i32 to vector<16xi32>
        %add3A_610 = arith.addi %shift_left3A_116, %add3A_609 : vector<16xi32>
        %gather3A_611 = tpu.vector_load_idx %arg16[%add3A_100, %add3A_610] : memref<128x128xf32, #tpu.memory_space<vmem>>[vector<16xi32>, vector<16xi32>], vector<16xf32>,
        %add3A_612 = arith.constant 30 : i32
        %add3A_613 = vector.broadcast %add3A_612 : i32 to vector<16xi32>
        %add3A_614 = arith.addi %shift_left3A_123, %add3A_613 : vector<16xi32>
        %gather3A_615 = tpu.vector_load_idx %arg13[%shift_right_logical3A_119, %add3A_614] : memref<250x128xf32, #tpu.memory_space<vmem>>[vector<16xi32>, vector<16xi32>], vector<16xf32>,
        %add3A_616 = arith.addf %gather3A_607, %gather3A_615 : vector<16xf32>
        %sub3A_617 = arith.subf %add3A_616, %gather3A_611 : vector<16xf32>
        %mul3A_618 = arith.mulf %sub3A_617, %sub3A_617 : vector<16xf32>
        %add3A_619 = arith.addf %add3A_603, %mul3A_618 : vector<16xf32>
        %add3A_620 = arith.constant 31 : i32
        %add3A_621 = vector.broadcast %add3A_620 : i32 to vector<16xi32>
        %add3A_622 = arith.addi %shift_left3A_109, %add3A_621 : vector<16xi32>
        %gather3A_623 = tpu.vector_load_idx %arg14[%add3A_100, %add3A_622] : memref<128x128xf32, #tpu.memory_space<vmem>>[vector<16xi32>, vector<16xi32>], vector<16xf32>,
        %add3A_624 = arith.constant 31 : i32
        %add3A_625 = vector.broadcast %add3A_624 : i32 to vector<16xi32>
        %add3A_626 = arith.addi %shift_left3A_116, %add3A_625 : vector<16xi32>
        %gather3A_627 = tpu.vector_load_idx %arg16[%add3A_100, %add3A_626] : memref<128x128xf32, #tpu.memory_space<vmem>>[vector<16xi32>, vector<16xi32>], vector<16xf32>,
        %add3A_628 = arith.constant 31 : i32
        %add3A_629 = vector.broadcast %add3A_628 : i32 to vector<16xi32>
        %add3A_630 = arith.addi %shift_left3A_123, %add3A_629 : vector<16xi32>
        %gather3A_631 = tpu.vector_load_idx %arg13[%shift_right_logical3A_119, %add3A_630] : memref<250x128xf32, #tpu.memory_space<vmem>>[vector<16xi32>, vector<16xi32>], vector<16xf32>,
        %add3A_632 = arith.addf %gather3A_623, %gather3A_631 : vector<16xf32>
        %sub3A_633 = arith.subf %add3A_632, %gather3A_627 : vector<16xf32>
        %mul3A_634 = arith.mulf %sub3A_633, %sub3A_633 : vector<16xf32>
        %add3A_635 = arith.addf %add3A_619, %mul3A_634 : vector<16xf32>
        %neg3A = arith.constant 0.000000e+00 : f32
        %neg3A_636 = vector.broadcast %neg3A : f32 to vector<16xf32>
        %neg3A_637 = arith.subf %neg3A_636, %add3A_635 : vector<16xf32>
        %swap3A = arith.index_cast %add3A_96 : i32 to index
        %swap3A_638 = tpu.vector_load %arg18[%swap3A] {strides = array<i32>} : memref<2048xf32, #tpu.memory_space<vmem>>, vector<16xf32>,
        tpu.vector_store %arg18[%swap3A], %neg3A_637 {strides = array<i32>} : memref<2048xf32, #tpu.memory_space<vmem>>, vector<16xf32>,
      }
      %scan3A_57 = arith.constant 8 : i32
      %add3A_58 = arith.constant 2 : i32
      %add3A_59 = arith.addi %add3A_40, %add3A_58 : i32
      %lt3A = arith.constant 16 : i32
      %lt3A_60 = arith.cmpi slt, %add3A_59, %lt3A : i32
      %convert_element_type3A = arith.extui %lt3A_60 : i1 to i32
      %cond3A = arith.constant 0 : i32
      %cond3A_61 = arith.cmpi ne, %convert_element_type3A, %cond3A : i32
      scf.if %cond3A_61 {
        %mul3A_91 = arith.constant 128 : i32
        %mul3A_92 = arith.muli %add3A_59, %mul3A_91 : i32
        %dma_start3A_93 = tpu.memref_slice %arg11[%mul3A_92] : memref<2048xi32, #tpu.memory_space<vmem>> -> memref<128xi32, #tpu.memory_space<vmem>>
        %dma_start3A_94 = arith.constant 0 : i32
        %dma_start3A_95 = arith.constant 0 : i32
        %dma_start3A_96 = tpu.memref_slice %arg5[%dma_start3A_94, %dma_start3A_95] : memref<253952x128xf32, #tpu.memory_space<hbm>> -> memref<253952x128xf32, #tpu.memory_space<hbm>>
        tpu.enqueue_indirect_dma source(%dma_start3A_96 : memref<253952x128xf32, #tpu.memory_space<hbm>>) target(%arg14 : memref<128x128xf32, #tpu.memory_space<vmem>>) offsets(%dma_start3A_93 : memref<128xi32, #tpu.memory_space<vmem>>) semaphore(%arg19 : memref<!tpu.dma_semaphore, #tpu.memory_space<semaphore_mem>>)
        %dma_start3A_97 = tpu.memref_slice %arg12[%mul3A_92] : memref<2048xi32, #tpu.memory_space<vmem>> -> memref<128xi32, #tpu.memory_space<vmem>>
        %dma_start3A_98 = arith.constant 0 : i32
        %dma_start3A_99 = arith.constant 0 : i32
        %dma_start3A_100 = tpu.memref_slice %arg5[%dma_start3A_98, %dma_start3A_99] : memref<253952x128xf32, #tpu.memory_space<hbm>> -> memref<253952x128xf32, #tpu.memory_space<hbm>>
        tpu.enqueue_indirect_dma source(%dma_start3A_100 : memref<253952x128xf32, #tpu.memory_space<hbm>>) target(%arg16 : memref<128x128xf32, #tpu.memory_space<vmem>>) offsets(%dma_start3A_97 : memref<128xi32, #tpu.memory_space<vmem>>) semaphore(%arg19 : memref<!tpu.dma_semaphore, #tpu.memory_space<semaphore_mem>>)
      } else {
      }
      %mul3A_62 = arith.constant 2 : i32
      %mul3A_63 = arith.muli %scan3A_36, %mul3A_62 : i32
      %add3A_64 = arith.constant 1 : i32
      %add3A_65 = arith.addi %mul3A_63, %add3A_64 : i32
      %mul3A_66 = arith.constant 128 : i32
      %mul3A_67 = arith.muli %add3A_65, %mul3A_66 : i32
      %dma_wait3A_68 = tpu.memref_slice %arg11[%mul3A_67] : memref<2048xi32, #tpu.memory_space<vmem>> -> memref<128xi32, #tpu.memory_space<vmem>>
      %dma_wait3A_69 = arith.constant 0 : i32
      %dma_wait3A_70 = arith.constant 0 : i32
      %dma_wait3A_71 = tpu.memref_slice %arg5[%dma_wait3A_69, %dma_wait3A_70] : memref<253952x128xf32, #tpu.memory_space<hbm>> -> memref<253952x128xf32, #tpu.memory_space<hbm>>
      tpu.wait_indirect_dma semaphore(%arg20 : memref<!tpu.dma_semaphore, #tpu.memory_space<semaphore_mem>>) src(%dma_wait3A_71 : memref<253952x128xf32, #tpu.memory_space<hbm>>) dst(%arg15 : memref<128x128xf32, #tpu.memory_space<vmem>>)
      %mul3A_72 = arith.constant 128 : i32
      %mul3A_73 = arith.muli %add3A_65, %mul3A_72 : i32
      %dma_wait3A_74 = tpu.memref_slice %arg12[%mul3A_73] : memref<2048xi32, #tpu.memory_space<vmem>> -> memref<128xi32, #tpu.memory_space<vmem>>
      %dma_wait3A_75 = arith.constant 0 : i32
      %dma_wait3A_76 = arith.constant 0 : i32
      %dma_wait3A_77 = tpu.memref_slice %arg5[%dma_wait3A_75, %dma_wait3A_76] : memref<253952x128xf32, #tpu.memory_space<hbm>> -> memref<253952x128xf32, #tpu.memory_space<hbm>>
      tpu.wait_indirect_dma semaphore(%arg20 : memref<!tpu.dma_semaphore, #tpu.memory_space<semaphore_mem>>) src(%dma_wait3A_77 : memref<253952x128xf32, #tpu.memory_space<hbm>>) dst(%arg17 : memref<128x128xf32, #tpu.memory_space<vmem>>)
      %scan3A_78 = arith.constant 0 : i32
      %scan3A_79 = arith.constant 0 : i32
      %scan3A_80 = arith.constant 8 : i32
      %scan3A_81 = arith.addi %scan3A_79, %scan3A_80 : i32
      %scan3A_82 = arith.constant 1 : i32
      scf.for %scan3A_91 = %scan3A_79 to %scan3A_81 step %scan3A_82  : i32 {
        %mul3A_92 = arith.constant 128 : i32
        %mul3A_93 = arith.muli %add3A_65, %mul3A_92 : i32
        %mul3A_94 = arith.constant 16 : i32
        %mul3A_95 = arith.muli %scan3A_91, %mul3A_94 : i32
        %add3A_96 = arith.addi %mul3A_93, %mul3A_95 : i32
        %mul3A_97 = arith.constant 16 : i32
        %mul3A_98 = arith.muli %scan3A_91, %mul3A_97 : i32
        %add3A_99 = vector.broadcast %mul3A_98 : i32 to vector<16xi32>
        %add3A_100 = arith.addi %add3A_99, %iota3A : vector<16xi32>
        %get3A = arith.index_cast %add3A_96 : i32 to index
        %get3A_101 = tpu.vector_load %arg8[%get3A] {strides = array<i32>} : memref<2048xi32, #tpu.memory_space<vmem>>, vector<16xi32>,
        %get3A_102 = arith.index_cast %add3A_96 : i32 to index
        %get3A_103 = tpu.vector_load %arg9[%get3A_102] {strides = array<i32>} : memref<2048xi32, #tpu.memory_space<vmem>>, vector<16xi32>,
        %get3A_104 = arith.index_cast %add3A_96 : i32 to index
        %get3A_105 = tpu.vector_load %arg10[%get3A_104] {strides = array<i32>} : memref<2048xi32, #tpu.memory_space<vmem>>, vector<16xi32>,
        %shift_right_logical3A = arith.constant 13 : i32
        %shift_right_logical3A_106 = vector.broadcast %shift_right_logical3A : i32 to vector<16xi32>
        %shift_right_logical3A_107 = arith.shrui %get3A_101, %shift_right_logical3A_106 : vector<16xi32>
        %and3A = arith.andi %shift_right_logical3A_107, %broadcast_in_dim3A_29 : vector<16xi32>
        %shift_left3A = arith.constant 5 : i32
        %shift_left3A_108 = vector.broadcast %shift_left3A : i32 to vector<16xi32>
        %shift_left3A_109 = arith.shli %and3A, %shift_left3A_108 : vector<16xi32>
        %shift_right_logical3A_110 = arith.constant 13 : i32
        %shift_right_logical3A_111 = vector.broadcast %shift_right_logical3A_110 : i32 to vector<16xi32>
        %shift_right_logical3A_112 = arith.shrui %get3A_103, %shift_right_logical3A_111 : vector<16xi32>
        %and3A_113 = arith.andi %shift_right_logical3A_112, %broadcast_in_dim3A_29 : vector<16xi32>
        %shift_left3A_114 = arith.constant 5 : i32
        %shift_left3A_115 = vector.broadcast %shift_left3A_114 : i32 to vector<16xi32>
        %shift_left3A_116 = arith.shli %and3A_113, %shift_left3A_115 : vector<16xi32>
        %shift_right_logical3A_117 = arith.constant 2 : i32
        %shift_right_logical3A_118 = vector.broadcast %shift_right_logical3A_117 : i32 to vector<16xi32>
        %shift_right_logical3A_119 = arith.shrui %get3A_105, %shift_right_logical3A_118 : vector<16xi32>
        %and3A_120 = arith.andi %get3A_105, %broadcast_in_dim3A_29 : vector<16xi32>
        %shift_left3A_121 = arith.constant 5 : i32
        %shift_left3A_122 = vector.broadcast %shift_left3A_121 : i32 to vector<16xi32>
        %shift_left3A_123 = arith.shli %and3A_120, %shift_left3A_122 : vector<16xi32>
        %broadcast_in_dim3A_124 = arith.constant 0.000000e+00 : f32
        %broadcast_in_dim3A_125 = vector.broadcast %broadcast_in_dim3A_124 : f32 to vector<16xf32>
        %add3A_126 = arith.constant 0 : i32
        %add3A_127 = vector.broadcast %add3A_126 : i32 to vector<16xi32>
        %add3A_128 = arith.addi %shift_left3A_109, %add3A_127 : vector<16xi32>
        %gather3A = tpu.vector_load_idx %arg15[%add3A_100, %add3A_128] : memref<128x128xf32, #tpu.memory_space<vmem>>[vector<16xi32>, vector<16xi32>], vector<16xf32>,
        %add3A_129 = arith.constant 0 : i32
        %add3A_130 = vector.broadcast %add3A_129 : i32 to vector<16xi32>
        %add3A_131 = arith.addi %shift_left3A_116, %add3A_130 : vector<16xi32>
        %gather3A_132 = tpu.vector_load_idx %arg17[%add3A_100, %add3A_131] : memref<128x128xf32, #tpu.memory_space<vmem>>[vector<16xi32>, vector<16xi32>], vector<16xf32>,
        %add3A_133 = arith.constant 0 : i32
        %add3A_134 = vector.broadcast %add3A_133 : i32 to vector<16xi32>
        %add3A_135 = arith.addi %shift_left3A_123, %add3A_134 : vector<16xi32>
        %gather3A_136 = tpu.vector_load_idx %arg13[%shift_right_logical3A_119, %add3A_135] : memref<250x128xf32, #tpu.memory_space<vmem>>[vector<16xi32>, vector<16xi32>], vector<16xf32>,
        %add3A_137 = arith.addf %gather3A, %gather3A_136 : vector<16xf32>
        %sub3A = arith.subf %add3A_137, %gather3A_132 : vector<16xf32>
        %mul3A_138 = arith.mulf %sub3A, %sub3A : vector<16xf32>
        %add3A_139 = arith.addf %broadcast_in_dim3A_125, %mul3A_138 : vector<16xf32>
        %add3A_140 = arith.constant 1 : i32
        %add3A_141 = vector.broadcast %add3A_140 : i32 to vector<16xi32>
        %add3A_142 = arith.addi %shift_left3A_109, %add3A_141 : vector<16xi32>
        %gather3A_143 = tpu.vector_load_idx %arg15[%add3A_100, %add3A_142] : memref<128x128xf32, #tpu.memory_space<vmem>>[vector<16xi32>, vector<16xi32>], vector<16xf32>,
        %add3A_144 = arith.constant 1 : i32
        %add3A_145 = vector.broadcast %add3A_144 : i32 to vector<16xi32>
        %add3A_146 = arith.addi %shift_left3A_116, %add3A_145 : vector<16xi32>
        %gather3A_147 = tpu.vector_load_idx %arg17[%add3A_100, %add3A_146] : memref<128x128xf32, #tpu.memory_space<vmem>>[vector<16xi32>, vector<16xi32>], vector<16xf32>,
        %add3A_148 = arith.constant 1 : i32
        %add3A_149 = vector.broadcast %add3A_148 : i32 to vector<16xi32>
        %add3A_150 = arith.addi %shift_left3A_123, %add3A_149 : vector<16xi32>
        %gather3A_151 = tpu.vector_load_idx %arg13[%shift_right_logical3A_119, %add3A_150] : memref<250x128xf32, #tpu.memory_space<vmem>>[vector<16xi32>, vector<16xi32>], vector<16xf32>,
        %add3A_152 = arith.addf %gather3A_143, %gather3A_151 : vector<16xf32>
        %sub3A_153 = arith.subf %add3A_152, %gather3A_147 : vector<16xf32>
        %mul3A_154 = arith.mulf %sub3A_153, %sub3A_153 : vector<16xf32>
        %add3A_155 = arith.addf %add3A_139, %mul3A_154 : vector<16xf32>
        %add3A_156 = arith.constant 2 : i32
        %add3A_157 = vector.broadcast %add3A_156 : i32 to vector<16xi32>
        %add3A_158 = arith.addi %shift_left3A_109, %add3A_157 : vector<16xi32>
        %gather3A_159 = tpu.vector_load_idx %arg15[%add3A_100, %add3A_158] : memref<128x128xf32, #tpu.memory_space<vmem>>[vector<16xi32>, vector<16xi32>], vector<16xf32>,
        %add3A_160 = arith.constant 2 : i32
        %add3A_161 = vector.broadcast %add3A_160 : i32 to vector<16xi32>
        %add3A_162 = arith.addi %shift_left3A_116, %add3A_161 : vector<16xi32>
        %gather3A_163 = tpu.vector_load_idx %arg17[%add3A_100, %add3A_162] : memref<128x128xf32, #tpu.memory_space<vmem>>[vector<16xi32>, vector<16xi32>], vector<16xf32>,
        %add3A_164 = arith.constant 2 : i32
        %add3A_165 = vector.broadcast %add3A_164 : i32 to vector<16xi32>
        %add3A_166 = arith.addi %shift_left3A_123, %add3A_165 : vector<16xi32>
        %gather3A_167 = tpu.vector_load_idx %arg13[%shift_right_logical3A_119, %add3A_166] : memref<250x128xf32, #tpu.memory_space<vmem>>[vector<16xi32>, vector<16xi32>], vector<16xf32>,
        %add3A_168 = arith.addf %gather3A_159, %gather3A_167 : vector<16xf32>
        %sub3A_169 = arith.subf %add3A_168, %gather3A_163 : vector<16xf32>
        %mul3A_170 = arith.mulf %sub3A_169, %sub3A_169 : vector<16xf32>
        %add3A_171 = arith.addf %add3A_155, %mul3A_170 : vector<16xf32>
        %add3A_172 = arith.constant 3 : i32
        %add3A_173 = vector.broadcast %add3A_172 : i32 to vector<16xi32>
        %add3A_174 = arith.addi %shift_left3A_109, %add3A_173 : vector<16xi32>
        %gather3A_175 = tpu.vector_load_idx %arg15[%add3A_100, %add3A_174] : memref<128x128xf32, #tpu.memory_space<vmem>>[vector<16xi32>, vector<16xi32>], vector<16xf32>,
        %add3A_176 = arith.constant 3 : i32
        %add3A_177 = vector.broadcast %add3A_176 : i32 to vector<16xi32>
        %add3A_178 = arith.addi %shift_left3A_116, %add3A_177 : vector<16xi32>
        %gather3A_179 = tpu.vector_load_idx %arg17[%add3A_100, %add3A_178] : memref<128x128xf32, #tpu.memory_space<vmem>>[vector<16xi32>, vector<16xi32>], vector<16xf32>,
        %add3A_180 = arith.constant 3 : i32
        %add3A_181 = vector.broadcast %add3A_180 : i32 to vector<16xi32>
        %add3A_182 = arith.addi %shift_left3A_123, %add3A_181 : vector<16xi32>
        %gather3A_183 = tpu.vector_load_idx %arg13[%shift_right_logical3A_119, %add3A_182] : memref<250x128xf32, #tpu.memory_space<vmem>>[vector<16xi32>, vector<16xi32>], vector<16xf32>,
        %add3A_184 = arith.addf %gather3A_175, %gather3A_183 : vector<16xf32>
        %sub3A_185 = arith.subf %add3A_184, %gather3A_179 : vector<16xf32>
        %mul3A_186 = arith.mulf %sub3A_185, %sub3A_185 : vector<16xf32>
        %add3A_187 = arith.addf %add3A_171, %mul3A_186 : vector<16xf32>
        %add3A_188 = arith.constant 4 : i32
        %add3A_189 = vector.broadcast %add3A_188 : i32 to vector<16xi32>
        %add3A_190 = arith.addi %shift_left3A_109, %add3A_189 : vector<16xi32>
        %gather3A_191 = tpu.vector_load_idx %arg15[%add3A_100, %add3A_190] : memref<128x128xf32, #tpu.memory_space<vmem>>[vector<16xi32>, vector<16xi32>], vector<16xf32>,
        %add3A_192 = arith.constant 4 : i32
        %add3A_193 = vector.broadcast %add3A_192 : i32 to vector<16xi32>
        %add3A_194 = arith.addi %shift_left3A_116, %add3A_193 : vector<16xi32>
        %gather3A_195 = tpu.vector_load_idx %arg17[%add3A_100, %add3A_194] : memref<128x128xf32, #tpu.memory_space<vmem>>[vector<16xi32>, vector<16xi32>], vector<16xf32>,
        %add3A_196 = arith.constant 4 : i32
        %add3A_197 = vector.broadcast %add3A_196 : i32 to vector<16xi32>
        %add3A_198 = arith.addi %shift_left3A_123, %add3A_197 : vector<16xi32>
        %gather3A_199 = tpu.vector_load_idx %arg13[%shift_right_logical3A_119, %add3A_198] : memref<250x128xf32, #tpu.memory_space<vmem>>[vector<16xi32>, vector<16xi32>], vector<16xf32>,
        %add3A_200 = arith.addf %gather3A_191, %gather3A_199 : vector<16xf32>
        %sub3A_201 = arith.subf %add3A_200, %gather3A_195 : vector<16xf32>
        %mul3A_202 = arith.mulf %sub3A_201, %sub3A_201 : vector<16xf32>
        %add3A_203 = arith.addf %add3A_187, %mul3A_202 : vector<16xf32>
        %add3A_204 = arith.constant 5 : i32
        %add3A_205 = vector.broadcast %add3A_204 : i32 to vector<16xi32>
        %add3A_206 = arith.addi %shift_left3A_109, %add3A_205 : vector<16xi32>
        %gather3A_207 = tpu.vector_load_idx %arg15[%add3A_100, %add3A_206] : memref<128x128xf32, #tpu.memory_space<vmem>>[vector<16xi32>, vector<16xi32>], vector<16xf32>,
        %add3A_208 = arith.constant 5 : i32
        %add3A_209 = vector.broadcast %add3A_208 : i32 to vector<16xi32>
        %add3A_210 = arith.addi %shift_left3A_116, %add3A_209 : vector<16xi32>
        %gather3A_211 = tpu.vector_load_idx %arg17[%add3A_100, %add3A_210] : memref<128x128xf32, #tpu.memory_space<vmem>>[vector<16xi32>, vector<16xi32>], vector<16xf32>,
        %add3A_212 = arith.constant 5 : i32
        %add3A_213 = vector.broadcast %add3A_212 : i32 to vector<16xi32>
        %add3A_214 = arith.addi %shift_left3A_123, %add3A_213 : vector<16xi32>
        %gather3A_215 = tpu.vector_load_idx %arg13[%shift_right_logical3A_119, %add3A_214] : memref<250x128xf32, #tpu.memory_space<vmem>>[vector<16xi32>, vector<16xi32>], vector<16xf32>,
        %add3A_216 = arith.addf %gather3A_207, %gather3A_215 : vector<16xf32>
        %sub3A_217 = arith.subf %add3A_216, %gather3A_211 : vector<16xf32>
        %mul3A_218 = arith.mulf %sub3A_217, %sub3A_217 : vector<16xf32>
        %add3A_219 = arith.addf %add3A_203, %mul3A_218 : vector<16xf32>
        %add3A_220 = arith.constant 6 : i32
        %add3A_221 = vector.broadcast %add3A_220 : i32 to vector<16xi32>
        %add3A_222 = arith.addi %shift_left3A_109, %add3A_221 : vector<16xi32>
        %gather3A_223 = tpu.vector_load_idx %arg15[%add3A_100, %add3A_222] : memref<128x128xf32, #tpu.memory_space<vmem>>[vector<16xi32>, vector<16xi32>], vector<16xf32>,
        %add3A_224 = arith.constant 6 : i32
        %add3A_225 = vector.broadcast %add3A_224 : i32 to vector<16xi32>
        %add3A_226 = arith.addi %shift_left3A_116, %add3A_225 : vector<16xi32>
        %gather3A_227 = tpu.vector_load_idx %arg17[%add3A_100, %add3A_226] : memref<128x128xf32, #tpu.memory_space<vmem>>[vector<16xi32>, vector<16xi32>], vector<16xf32>,
        %add3A_228 = arith.constant 6 : i32
        %add3A_229 = vector.broadcast %add3A_228 : i32 to vector<16xi32>
        %add3A_230 = arith.addi %shift_left3A_123, %add3A_229 : vector<16xi32>
        %gather3A_231 = tpu.vector_load_idx %arg13[%shift_right_logical3A_119, %add3A_230] : memref<250x128xf32, #tpu.memory_space<vmem>>[vector<16xi32>, vector<16xi32>], vector<16xf32>,
        %add3A_232 = arith.addf %gather3A_223, %gather3A_231 : vector<16xf32>
        %sub3A_233 = arith.subf %add3A_232, %gather3A_227 : vector<16xf32>
        %mul3A_234 = arith.mulf %sub3A_233, %sub3A_233 : vector<16xf32>
        %add3A_235 = arith.addf %add3A_219, %mul3A_234 : vector<16xf32>
        %add3A_236 = arith.constant 7 : i32
        %add3A_237 = vector.broadcast %add3A_236 : i32 to vector<16xi32>
        %add3A_238 = arith.addi %shift_left3A_109, %add3A_237 : vector<16xi32>
        %gather3A_239 = tpu.vector_load_idx %arg15[%add3A_100, %add3A_238] : memref<128x128xf32, #tpu.memory_space<vmem>>[vector<16xi32>, vector<16xi32>], vector<16xf32>,
        %add3A_240 = arith.constant 7 : i32
        %add3A_241 = vector.broadcast %add3A_240 : i32 to vector<16xi32>
        %add3A_242 = arith.addi %shift_left3A_116, %add3A_241 : vector<16xi32>
        %gather3A_243 = tpu.vector_load_idx %arg17[%add3A_100, %add3A_242] : memref<128x128xf32, #tpu.memory_space<vmem>>[vector<16xi32>, vector<16xi32>], vector<16xf32>,
        %add3A_244 = arith.constant 7 : i32
        %add3A_245 = vector.broadcast %add3A_244 : i32 to vector<16xi32>
        %add3A_246 = arith.addi %shift_left3A_123, %add3A_245 : vector<16xi32>
        %gather3A_247 = tpu.vector_load_idx %arg13[%shift_right_logical3A_119, %add3A_246] : memref<250x128xf32, #tpu.memory_space<vmem>>[vector<16xi32>, vector<16xi32>], vector<16xf32>,
        %add3A_248 = arith.addf %gather3A_239, %gather3A_247 : vector<16xf32>
        %sub3A_249 = arith.subf %add3A_248, %gather3A_243 : vector<16xf32>
        %mul3A_250 = arith.mulf %sub3A_249, %sub3A_249 : vector<16xf32>
        %add3A_251 = arith.addf %add3A_235, %mul3A_250 : vector<16xf32>
        %add3A_252 = arith.constant 8 : i32
        %add3A_253 = vector.broadcast %add3A_252 : i32 to vector<16xi32>
        %add3A_254 = arith.addi %shift_left3A_109, %add3A_253 : vector<16xi32>
        %gather3A_255 = tpu.vector_load_idx %arg15[%add3A_100, %add3A_254] : memref<128x128xf32, #tpu.memory_space<vmem>>[vector<16xi32>, vector<16xi32>], vector<16xf32>,
        %add3A_256 = arith.constant 8 : i32
        %add3A_257 = vector.broadcast %add3A_256 : i32 to vector<16xi32>
        %add3A_258 = arith.addi %shift_left3A_116, %add3A_257 : vector<16xi32>
        %gather3A_259 = tpu.vector_load_idx %arg17[%add3A_100, %add3A_258] : memref<128x128xf32, #tpu.memory_space<vmem>>[vector<16xi32>, vector<16xi32>], vector<16xf32>,
        %add3A_260 = arith.constant 8 : i32
        %add3A_261 = vector.broadcast %add3A_260 : i32 to vector<16xi32>
        %add3A_262 = arith.addi %shift_left3A_123, %add3A_261 : vector<16xi32>
        %gather3A_263 = tpu.vector_load_idx %arg13[%shift_right_logical3A_119, %add3A_262] : memref<250x128xf32, #tpu.memory_space<vmem>>[vector<16xi32>, vector<16xi32>], vector<16xf32>,
        %add3A_264 = arith.addf %gather3A_255, %gather3A_263 : vector<16xf32>
        %sub3A_265 = arith.subf %add3A_264, %gather3A_259 : vector<16xf32>
        %mul3A_266 = arith.mulf %sub3A_265, %sub3A_265 : vector<16xf32>
        %add3A_267 = arith.addf %add3A_251, %mul3A_266 : vector<16xf32>
        %add3A_268 = arith.constant 9 : i32
        %add3A_269 = vector.broadcast %add3A_268 : i32 to vector<16xi32>
        %add3A_270 = arith.addi %shift_left3A_109, %add3A_269 : vector<16xi32>
        %gather3A_271 = tpu.vector_load_idx %arg15[%add3A_100, %add3A_270] : memref<128x128xf32, #tpu.memory_space<vmem>>[vector<16xi32>, vector<16xi32>], vector<16xf32>,
        %add3A_272 = arith.constant 9 : i32
        %add3A_273 = vector.broadcast %add3A_272 : i32 to vector<16xi32>
        %add3A_274 = arith.addi %shift_left3A_116, %add3A_273 : vector<16xi32>
        %gather3A_275 = tpu.vector_load_idx %arg17[%add3A_100, %add3A_274] : memref<128x128xf32, #tpu.memory_space<vmem>>[vector<16xi32>, vector<16xi32>], vector<16xf32>,
        %add3A_276 = arith.constant 9 : i32
        %add3A_277 = vector.broadcast %add3A_276 : i32 to vector<16xi32>
        %add3A_278 = arith.addi %shift_left3A_123, %add3A_277 : vector<16xi32>
        %gather3A_279 = tpu.vector_load_idx %arg13[%shift_right_logical3A_119, %add3A_278] : memref<250x128xf32, #tpu.memory_space<vmem>>[vector<16xi32>, vector<16xi32>], vector<16xf32>,
        %add3A_280 = arith.addf %gather3A_271, %gather3A_279 : vector<16xf32>
        %sub3A_281 = arith.subf %add3A_280, %gather3A_275 : vector<16xf32>
        %mul3A_282 = arith.mulf %sub3A_281, %sub3A_281 : vector<16xf32>
        %add3A_283 = arith.addf %add3A_267, %mul3A_282 : vector<16xf32>
        %add3A_284 = arith.constant 10 : i32
        %add3A_285 = vector.broadcast %add3A_284 : i32 to vector<16xi32>
        %add3A_286 = arith.addi %shift_left3A_109, %add3A_285 : vector<16xi32>
        %gather3A_287 = tpu.vector_load_idx %arg15[%add3A_100, %add3A_286] : memref<128x128xf32, #tpu.memory_space<vmem>>[vector<16xi32>, vector<16xi32>], vector<16xf32>,
        %add3A_288 = arith.constant 10 : i32
        %add3A_289 = vector.broadcast %add3A_288 : i32 to vector<16xi32>
        %add3A_290 = arith.addi %shift_left3A_116, %add3A_289 : vector<16xi32>
        %gather3A_291 = tpu.vector_load_idx %arg17[%add3A_100, %add3A_290] : memref<128x128xf32, #tpu.memory_space<vmem>>[vector<16xi32>, vector<16xi32>], vector<16xf32>,
        %add3A_292 = arith.constant 10 : i32
        %add3A_293 = vector.broadcast %add3A_292 : i32 to vector<16xi32>
        %add3A_294 = arith.addi %shift_left3A_123, %add3A_293 : vector<16xi32>
        %gather3A_295 = tpu.vector_load_idx %arg13[%shift_right_logical3A_119, %add3A_294] : memref<250x128xf32, #tpu.memory_space<vmem>>[vector<16xi32>, vector<16xi32>], vector<16xf32>,
        %add3A_296 = arith.addf %gather3A_287, %gather3A_295 : vector<16xf32>
        %sub3A_297 = arith.subf %add3A_296, %gather3A_291 : vector<16xf32>
        %mul3A_298 = arith.mulf %sub3A_297, %sub3A_297 : vector<16xf32>
        %add3A_299 = arith.addf %add3A_283, %mul3A_298 : vector<16xf32>
        %add3A_300 = arith.constant 11 : i32
        %add3A_301 = vector.broadcast %add3A_300 : i32 to vector<16xi32>
        %add3A_302 = arith.addi %shift_left3A_109, %add3A_301 : vector<16xi32>
        %gather3A_303 = tpu.vector_load_idx %arg15[%add3A_100, %add3A_302] : memref<128x128xf32, #tpu.memory_space<vmem>>[vector<16xi32>, vector<16xi32>], vector<16xf32>,
        %add3A_304 = arith.constant 11 : i32
        %add3A_305 = vector.broadcast %add3A_304 : i32 to vector<16xi32>
        %add3A_306 = arith.addi %shift_left3A_116, %add3A_305 : vector<16xi32>
        %gather3A_307 = tpu.vector_load_idx %arg17[%add3A_100, %add3A_306] : memref<128x128xf32, #tpu.memory_space<vmem>>[vector<16xi32>, vector<16xi32>], vector<16xf32>,
        %add3A_308 = arith.constant 11 : i32
        %add3A_309 = vector.broadcast %add3A_308 : i32 to vector<16xi32>
        %add3A_310 = arith.addi %shift_left3A_123, %add3A_309 : vector<16xi32>
        %gather3A_311 = tpu.vector_load_idx %arg13[%shift_right_logical3A_119, %add3A_310] : memref<250x128xf32, #tpu.memory_space<vmem>>[vector<16xi32>, vector<16xi32>], vector<16xf32>,
        %add3A_312 = arith.addf %gather3A_303, %gather3A_311 : vector<16xf32>
        %sub3A_313 = arith.subf %add3A_312, %gather3A_307 : vector<16xf32>
        %mul3A_314 = arith.mulf %sub3A_313, %sub3A_313 : vector<16xf32>
        %add3A_315 = arith.addf %add3A_299, %mul3A_314 : vector<16xf32>
        %add3A_316 = arith.constant 12 : i32
        %add3A_317 = vector.broadcast %add3A_316 : i32 to vector<16xi32>
        %add3A_318 = arith.addi %shift_left3A_109, %add3A_317 : vector<16xi32>
        %gather3A_319 = tpu.vector_load_idx %arg15[%add3A_100, %add3A_318] : memref<128x128xf32, #tpu.memory_space<vmem>>[vector<16xi32>, vector<16xi32>], vector<16xf32>,
        %add3A_320 = arith.constant 12 : i32
        %add3A_321 = vector.broadcast %add3A_320 : i32 to vector<16xi32>
        %add3A_322 = arith.addi %shift_left3A_116, %add3A_321 : vector<16xi32>
        %gather3A_323 = tpu.vector_load_idx %arg17[%add3A_100, %add3A_322] : memref<128x128xf32, #tpu.memory_space<vmem>>[vector<16xi32>, vector<16xi32>], vector<16xf32>,
        %add3A_324 = arith.constant 12 : i32
        %add3A_325 = vector.broadcast %add3A_324 : i32 to vector<16xi32>
        %add3A_326 = arith.addi %shift_left3A_123, %add3A_325 : vector<16xi32>
        %gather3A_327 = tpu.vector_load_idx %arg13[%shift_right_logical3A_119, %add3A_326] : memref<250x128xf32, #tpu.memory_space<vmem>>[vector<16xi32>, vector<16xi32>], vector<16xf32>,
        %add3A_328 = arith.addf %gather3A_319, %gather3A_327 : vector<16xf32>
        %sub3A_329 = arith.subf %add3A_328, %gather3A_323 : vector<16xf32>
        %mul3A_330 = arith.mulf %sub3A_329, %sub3A_329 : vector<16xf32>
        %add3A_331 = arith.addf %add3A_315, %mul3A_330 : vector<16xf32>
        %add3A_332 = arith.constant 13 : i32
        %add3A_333 = vector.broadcast %add3A_332 : i32 to vector<16xi32>
        %add3A_334 = arith.addi %shift_left3A_109, %add3A_333 : vector<16xi32>
        %gather3A_335 = tpu.vector_load_idx %arg15[%add3A_100, %add3A_334] : memref<128x128xf32, #tpu.memory_space<vmem>>[vector<16xi32>, vector<16xi32>], vector<16xf32>,
        %add3A_336 = arith.constant 13 : i32
        %add3A_337 = vector.broadcast %add3A_336 : i32 to vector<16xi32>
        %add3A_338 = arith.addi %shift_left3A_116, %add3A_337 : vector<16xi32>
        %gather3A_339 = tpu.vector_load_idx %arg17[%add3A_100, %add3A_338] : memref<128x128xf32, #tpu.memory_space<vmem>>[vector<16xi32>, vector<16xi32>], vector<16xf32>,
        %add3A_340 = arith.constant 13 : i32
        %add3A_341 = vector.broadcast %add3A_340 : i32 to vector<16xi32>
        %add3A_342 = arith.addi %shift_left3A_123, %add3A_341 : vector<16xi32>
        %gather3A_343 = tpu.vector_load_idx %arg13[%shift_right_logical3A_119, %add3A_342] : memref<250x128xf32, #tpu.memory_space<vmem>>[vector<16xi32>, vector<16xi32>], vector<16xf32>,
        %add3A_344 = arith.addf %gather3A_335, %gather3A_343 : vector<16xf32>
        %sub3A_345 = arith.subf %add3A_344, %gather3A_339 : vector<16xf32>
        %mul3A_346 = arith.mulf %sub3A_345, %sub3A_345 : vector<16xf32>
        %add3A_347 = arith.addf %add3A_331, %mul3A_346 : vector<16xf32>
        %add3A_348 = arith.constant 14 : i32
        %add3A_349 = vector.broadcast %add3A_348 : i32 to vector<16xi32>
        %add3A_350 = arith.addi %shift_left3A_109, %add3A_349 : vector<16xi32>
        %gather3A_351 = tpu.vector_load_idx %arg15[%add3A_100, %add3A_350] : memref<128x128xf32, #tpu.memory_space<vmem>>[vector<16xi32>, vector<16xi32>], vector<16xf32>,
        %add3A_352 = arith.constant 14 : i32
        %add3A_353 = vector.broadcast %add3A_352 : i32 to vector<16xi32>
        %add3A_354 = arith.addi %shift_left3A_116, %add3A_353 : vector<16xi32>
        %gather3A_355 = tpu.vector_load_idx %arg17[%add3A_100, %add3A_354] : memref<128x128xf32, #tpu.memory_space<vmem>>[vector<16xi32>, vector<16xi32>], vector<16xf32>,
        %add3A_356 = arith.constant 14 : i32
        %add3A_357 = vector.broadcast %add3A_356 : i32 to vector<16xi32>
        %add3A_358 = arith.addi %shift_left3A_123, %add3A_357 : vector<16xi32>
        %gather3A_359 = tpu.vector_load_idx %arg13[%shift_right_logical3A_119, %add3A_358] : memref<250x128xf32, #tpu.memory_space<vmem>>[vector<16xi32>, vector<16xi32>], vector<16xf32>,
        %add3A_360 = arith.addf %gather3A_351, %gather3A_359 : vector<16xf32>
        %sub3A_361 = arith.subf %add3A_360, %gather3A_355 : vector<16xf32>
        %mul3A_362 = arith.mulf %sub3A_361, %sub3A_361 : vector<16xf32>
        %add3A_363 = arith.addf %add3A_347, %mul3A_362 : vector<16xf32>
        %add3A_364 = arith.constant 15 : i32
        %add3A_365 = vector.broadcast %add3A_364 : i32 to vector<16xi32>
        %add3A_366 = arith.addi %shift_left3A_109, %add3A_365 : vector<16xi32>
        %gather3A_367 = tpu.vector_load_idx %arg15[%add3A_100, %add3A_366] : memref<128x128xf32, #tpu.memory_space<vmem>>[vector<16xi32>, vector<16xi32>], vector<16xf32>,
        %add3A_368 = arith.constant 15 : i32
        %add3A_369 = vector.broadcast %add3A_368 : i32 to vector<16xi32>
        %add3A_370 = arith.addi %shift_left3A_116, %add3A_369 : vector<16xi32>
        %gather3A_371 = tpu.vector_load_idx %arg17[%add3A_100, %add3A_370] : memref<128x128xf32, #tpu.memory_space<vmem>>[vector<16xi32>, vector<16xi32>], vector<16xf32>,
        %add3A_372 = arith.constant 15 : i32
        %add3A_373 = vector.broadcast %add3A_372 : i32 to vector<16xi32>
        %add3A_374 = arith.addi %shift_left3A_123, %add3A_373 : vector<16xi32>
        %gather3A_375 = tpu.vector_load_idx %arg13[%shift_right_logical3A_119, %add3A_374] : memref<250x128xf32, #tpu.memory_space<vmem>>[vector<16xi32>, vector<16xi32>], vector<16xf32>,
        %add3A_376 = arith.addf %gather3A_367, %gather3A_375 : vector<16xf32>
        %sub3A_377 = arith.subf %add3A_376, %gather3A_371 : vector<16xf32>
        %mul3A_378 = arith.mulf %sub3A_377, %sub3A_377 : vector<16xf32>
        %add3A_379 = arith.addf %add3A_363, %mul3A_378 : vector<16xf32>
        %add3A_380 = arith.constant 16 : i32
        %add3A_381 = vector.broadcast %add3A_380 : i32 to vector<16xi32>
        %add3A_382 = arith.addi %shift_left3A_109, %add3A_381 : vector<16xi32>
        %gather3A_383 = tpu.vector_load_idx %arg15[%add3A_100, %add3A_382] : memref<128x128xf32, #tpu.memory_space<vmem>>[vector<16xi32>, vector<16xi32>], vector<16xf32>,
        %add3A_384 = arith.constant 16 : i32
        %add3A_385 = vector.broadcast %add3A_384 : i32 to vector<16xi32>
        %add3A_386 = arith.addi %shift_left3A_116, %add3A_385 : vector<16xi32>
        %gather3A_387 = tpu.vector_load_idx %arg17[%add3A_100, %add3A_386] : memref<128x128xf32, #tpu.memory_space<vmem>>[vector<16xi32>, vector<16xi32>], vector<16xf32>,
        %add3A_388 = arith.constant 16 : i32
        %add3A_389 = vector.broadcast %add3A_388 : i32 to vector<16xi32>
        %add3A_390 = arith.addi %shift_left3A_123, %add3A_389 : vector<16xi32>
        %gather3A_391 = tpu.vector_load_idx %arg13[%shift_right_logical3A_119, %add3A_390] : memref<250x128xf32, #tpu.memory_space<vmem>>[vector<16xi32>, vector<16xi32>], vector<16xf32>,
        %add3A_392 = arith.addf %gather3A_383, %gather3A_391 : vector<16xf32>
        %sub3A_393 = arith.subf %add3A_392, %gather3A_387 : vector<16xf32>
        %mul3A_394 = arith.mulf %sub3A_393, %sub3A_393 : vector<16xf32>
        %add3A_395 = arith.addf %add3A_379, %mul3A_394 : vector<16xf32>
        %add3A_396 = arith.constant 17 : i32
        %add3A_397 = vector.broadcast %add3A_396 : i32 to vector<16xi32>
        %add3A_398 = arith.addi %shift_left3A_109, %add3A_397 : vector<16xi32>
        %gather3A_399 = tpu.vector_load_idx %arg15[%add3A_100, %add3A_398] : memref<128x128xf32, #tpu.memory_space<vmem>>[vector<16xi32>, vector<16xi32>], vector<16xf32>,
        %add3A_400 = arith.constant 17 : i32
        %add3A_401 = vector.broadcast %add3A_400 : i32 to vector<16xi32>
        %add3A_402 = arith.addi %shift_left3A_116, %add3A_401 : vector<16xi32>
        %gather3A_403 = tpu.vector_load_idx %arg17[%add3A_100, %add3A_402] : memref<128x128xf32, #tpu.memory_space<vmem>>[vector<16xi32>, vector<16xi32>], vector<16xf32>,
        %add3A_404 = arith.constant 17 : i32
        %add3A_405 = vector.broadcast %add3A_404 : i32 to vector<16xi32>
        %add3A_406 = arith.addi %shift_left3A_123, %add3A_405 : vector<16xi32>
        %gather3A_407 = tpu.vector_load_idx %arg13[%shift_right_logical3A_119, %add3A_406] : memref<250x128xf32, #tpu.memory_space<vmem>>[vector<16xi32>, vector<16xi32>], vector<16xf32>,
        %add3A_408 = arith.addf %gather3A_399, %gather3A_407 : vector<16xf32>
        %sub3A_409 = arith.subf %add3A_408, %gather3A_403 : vector<16xf32>
        %mul3A_410 = arith.mulf %sub3A_409, %sub3A_409 : vector<16xf32>
        %add3A_411 = arith.addf %add3A_395, %mul3A_410 : vector<16xf32>
        %add3A_412 = arith.constant 18 : i32
        %add3A_413 = vector.broadcast %add3A_412 : i32 to vector<16xi32>
        %add3A_414 = arith.addi %shift_left3A_109, %add3A_413 : vector<16xi32>
        %gather3A_415 = tpu.vector_load_idx %arg15[%add3A_100, %add3A_414] : memref<128x128xf32, #tpu.memory_space<vmem>>[vector<16xi32>, vector<16xi32>], vector<16xf32>,
        %add3A_416 = arith.constant 18 : i32
        %add3A_417 = vector.broadcast %add3A_416 : i32 to vector<16xi32>
        %add3A_418 = arith.addi %shift_left3A_116, %add3A_417 : vector<16xi32>
        %gather3A_419 = tpu.vector_load_idx %arg17[%add3A_100, %add3A_418] : memref<128x128xf32, #tpu.memory_space<vmem>>[vector<16xi32>, vector<16xi32>], vector<16xf32>,
        %add3A_420 = arith.constant 18 : i32
        %add3A_421 = vector.broadcast %add3A_420 : i32 to vector<16xi32>
        %add3A_422 = arith.addi %shift_left3A_123, %add3A_421 : vector<16xi32>
        %gather3A_423 = tpu.vector_load_idx %arg13[%shift_right_logical3A_119, %add3A_422] : memref<250x128xf32, #tpu.memory_space<vmem>>[vector<16xi32>, vector<16xi32>], vector<16xf32>,
        %add3A_424 = arith.addf %gather3A_415, %gather3A_423 : vector<16xf32>
        %sub3A_425 = arith.subf %add3A_424, %gather3A_419 : vector<16xf32>
        %mul3A_426 = arith.mulf %sub3A_425, %sub3A_425 : vector<16xf32>
        %add3A_427 = arith.addf %add3A_411, %mul3A_426 : vector<16xf32>
        %add3A_428 = arith.constant 19 : i32
        %add3A_429 = vector.broadcast %add3A_428 : i32 to vector<16xi32>
        %add3A_430 = arith.addi %shift_left3A_109, %add3A_429 : vector<16xi32>
        %gather3A_431 = tpu.vector_load_idx %arg15[%add3A_100, %add3A_430] : memref<128x128xf32, #tpu.memory_space<vmem>>[vector<16xi32>, vector<16xi32>], vector<16xf32>,
        %add3A_432 = arith.constant 19 : i32
        %add3A_433 = vector.broadcast %add3A_432 : i32 to vector<16xi32>
        %add3A_434 = arith.addi %shift_left3A_116, %add3A_433 : vector<16xi32>
        %gather3A_435 = tpu.vector_load_idx %arg17[%add3A_100, %add3A_434] : memref<128x128xf32, #tpu.memory_space<vmem>>[vector<16xi32>, vector<16xi32>], vector<16xf32>,
        %add3A_436 = arith.constant 19 : i32
        %add3A_437 = vector.broadcast %add3A_436 : i32 to vector<16xi32>
        %add3A_438 = arith.addi %shift_left3A_123, %add3A_437 : vector<16xi32>
        %gather3A_439 = tpu.vector_load_idx %arg13[%shift_right_logical3A_119, %add3A_438] : memref<250x128xf32, #tpu.memory_space<vmem>>[vector<16xi32>, vector<16xi32>], vector<16xf32>,
        %add3A_440 = arith.addf %gather3A_431, %gather3A_439 : vector<16xf32>
        %sub3A_441 = arith.subf %add3A_440, %gather3A_435 : vector<16xf32>
        %mul3A_442 = arith.mulf %sub3A_441, %sub3A_441 : vector<16xf32>
        %add3A_443 = arith.addf %add3A_427, %mul3A_442 : vector<16xf32>
        %add3A_444 = arith.constant 20 : i32
        %add3A_445 = vector.broadcast %add3A_444 : i32 to vector<16xi32>
        %add3A_446 = arith.addi %shift_left3A_109, %add3A_445 : vector<16xi32>
        %gather3A_447 = tpu.vector_load_idx %arg15[%add3A_100, %add3A_446] : memref<128x128xf32, #tpu.memory_space<vmem>>[vector<16xi32>, vector<16xi32>], vector<16xf32>,
        %add3A_448 = arith.constant 20 : i32
        %add3A_449 = vector.broadcast %add3A_448 : i32 to vector<16xi32>
        %add3A_450 = arith.addi %shift_left3A_116, %add3A_449 : vector<16xi32>
        %gather3A_451 = tpu.vector_load_idx %arg17[%add3A_100, %add3A_450] : memref<128x128xf32, #tpu.memory_space<vmem>>[vector<16xi32>, vector<16xi32>], vector<16xf32>,
        %add3A_452 = arith.constant 20 : i32
        %add3A_453 = vector.broadcast %add3A_452 : i32 to vector<16xi32>
        %add3A_454 = arith.addi %shift_left3A_123, %add3A_453 : vector<16xi32>
        %gather3A_455 = tpu.vector_load_idx %arg13[%shift_right_logical3A_119, %add3A_454] : memref<250x128xf32, #tpu.memory_space<vmem>>[vector<16xi32>, vector<16xi32>], vector<16xf32>,
        %add3A_456 = arith.addf %gather3A_447, %gather3A_455 : vector<16xf32>
        %sub3A_457 = arith.subf %add3A_456, %gather3A_451 : vector<16xf32>
        %mul3A_458 = arith.mulf %sub3A_457, %sub3A_457 : vector<16xf32>
        %add3A_459 = arith.addf %add3A_443, %mul3A_458 : vector<16xf32>
        %add3A_460 = arith.constant 21 : i32
        %add3A_461 = vector.broadcast %add3A_460 : i32 to vector<16xi32>
        %add3A_462 = arith.addi %shift_left3A_109, %add3A_461 : vector<16xi32>
        %gather3A_463 = tpu.vector_load_idx %arg15[%add3A_100, %add3A_462] : memref<128x128xf32, #tpu.memory_space<vmem>>[vector<16xi32>, vector<16xi32>], vector<16xf32>,
        %add3A_464 = arith.constant 21 : i32
        %add3A_465 = vector.broadcast %add3A_464 : i32 to vector<16xi32>
        %add3A_466 = arith.addi %shift_left3A_116, %add3A_465 : vector<16xi32>
        %gather3A_467 = tpu.vector_load_idx %arg17[%add3A_100, %add3A_466] : memref<128x128xf32, #tpu.memory_space<vmem>>[vector<16xi32>, vector<16xi32>], vector<16xf32>,
        %add3A_468 = arith.constant 21 : i32
        %add3A_469 = vector.broadcast %add3A_468 : i32 to vector<16xi32>
        %add3A_470 = arith.addi %shift_left3A_123, %add3A_469 : vector<16xi32>
        %gather3A_471 = tpu.vector_load_idx %arg13[%shift_right_logical3A_119, %add3A_470] : memref<250x128xf32, #tpu.memory_space<vmem>>[vector<16xi32>, vector<16xi32>], vector<16xf32>,
        %add3A_472 = arith.addf %gather3A_463, %gather3A_471 : vector<16xf32>
        %sub3A_473 = arith.subf %add3A_472, %gather3A_467 : vector<16xf32>
        %mul3A_474 = arith.mulf %sub3A_473, %sub3A_473 : vector<16xf32>
        %add3A_475 = arith.addf %add3A_459, %mul3A_474 : vector<16xf32>
        %add3A_476 = arith.constant 22 : i32
        %add3A_477 = vector.broadcast %add3A_476 : i32 to vector<16xi32>
        %add3A_478 = arith.addi %shift_left3A_109, %add3A_477 : vector<16xi32>
        %gather3A_479 = tpu.vector_load_idx %arg15[%add3A_100, %add3A_478] : memref<128x128xf32, #tpu.memory_space<vmem>>[vector<16xi32>, vector<16xi32>], vector<16xf32>,
        %add3A_480 = arith.constant 22 : i32
        %add3A_481 = vector.broadcast %add3A_480 : i32 to vector<16xi32>
        %add3A_482 = arith.addi %shift_left3A_116, %add3A_481 : vector<16xi32>
        %gather3A_483 = tpu.vector_load_idx %arg17[%add3A_100, %add3A_482] : memref<128x128xf32, #tpu.memory_space<vmem>>[vector<16xi32>, vector<16xi32>], vector<16xf32>,
        %add3A_484 = arith.constant 22 : i32
        %add3A_485 = vector.broadcast %add3A_484 : i32 to vector<16xi32>
        %add3A_486 = arith.addi %shift_left3A_123, %add3A_485 : vector<16xi32>
        %gather3A_487 = tpu.vector_load_idx %arg13[%shift_right_logical3A_119, %add3A_486] : memref<250x128xf32, #tpu.memory_space<vmem>>[vector<16xi32>, vector<16xi32>], vector<16xf32>,
        %add3A_488 = arith.addf %gather3A_479, %gather3A_487 : vector<16xf32>
        %sub3A_489 = arith.subf %add3A_488, %gather3A_483 : vector<16xf32>
        %mul3A_490 = arith.mulf %sub3A_489, %sub3A_489 : vector<16xf32>
        %add3A_491 = arith.addf %add3A_475, %mul3A_490 : vector<16xf32>
        %add3A_492 = arith.constant 23 : i32
        %add3A_493 = vector.broadcast %add3A_492 : i32 to vector<16xi32>
        %add3A_494 = arith.addi %shift_left3A_109, %add3A_493 : vector<16xi32>
        %gather3A_495 = tpu.vector_load_idx %arg15[%add3A_100, %add3A_494] : memref<128x128xf32, #tpu.memory_space<vmem>>[vector<16xi32>, vector<16xi32>], vector<16xf32>,
        %add3A_496 = arith.constant 23 : i32
        %add3A_497 = vector.broadcast %add3A_496 : i32 to vector<16xi32>
        %add3A_498 = arith.addi %shift_left3A_116, %add3A_497 : vector<16xi32>
        %gather3A_499 = tpu.vector_load_idx %arg17[%add3A_100, %add3A_498] : memref<128x128xf32, #tpu.memory_space<vmem>>[vector<16xi32>, vector<16xi32>], vector<16xf32>,
        %add3A_500 = arith.constant 23 : i32
        %add3A_501 = vector.broadcast %add3A_500 : i32 to vector<16xi32>
        %add3A_502 = arith.addi %shift_left3A_123, %add3A_501 : vector<16xi32>
        %gather3A_503 = tpu.vector_load_idx %arg13[%shift_right_logical3A_119, %add3A_502] : memref<250x128xf32, #tpu.memory_space<vmem>>[vector<16xi32>, vector<16xi32>], vector<16xf32>,
        %add3A_504 = arith.addf %gather3A_495, %gather3A_503 : vector<16xf32>
        %sub3A_505 = arith.subf %add3A_504, %gather3A_499 : vector<16xf32>
        %mul3A_506 = arith.mulf %sub3A_505, %sub3A_505 : vector<16xf32>
        %add3A_507 = arith.addf %add3A_491, %mul3A_506 : vector<16xf32>
        %add3A_508 = arith.constant 24 : i32
        %add3A_509 = vector.broadcast %add3A_508 : i32 to vector<16xi32>
        %add3A_510 = arith.addi %shift_left3A_109, %add3A_509 : vector<16xi32>
        %gather3A_511 = tpu.vector_load_idx %arg15[%add3A_100, %add3A_510] : memref<128x128xf32, #tpu.memory_space<vmem>>[vector<16xi32>, vector<16xi32>], vector<16xf32>,
        %add3A_512 = arith.constant 24 : i32
        %add3A_513 = vector.broadcast %add3A_512 : i32 to vector<16xi32>
        %add3A_514 = arith.addi %shift_left3A_116, %add3A_513 : vector<16xi32>
        %gather3A_515 = tpu.vector_load_idx %arg17[%add3A_100, %add3A_514] : memref<128x128xf32, #tpu.memory_space<vmem>>[vector<16xi32>, vector<16xi32>], vector<16xf32>,
        %add3A_516 = arith.constant 24 : i32
        %add3A_517 = vector.broadcast %add3A_516 : i32 to vector<16xi32>
        %add3A_518 = arith.addi %shift_left3A_123, %add3A_517 : vector<16xi32>
        %gather3A_519 = tpu.vector_load_idx %arg13[%shift_right_logical3A_119, %add3A_518] : memref<250x128xf32, #tpu.memory_space<vmem>>[vector<16xi32>, vector<16xi32>], vector<16xf32>,
        %add3A_520 = arith.addf %gather3A_511, %gather3A_519 : vector<16xf32>
        %sub3A_521 = arith.subf %add3A_520, %gather3A_515 : vector<16xf32>
        %mul3A_522 = arith.mulf %sub3A_521, %sub3A_521 : vector<16xf32>
        %add3A_523 = arith.addf %add3A_507, %mul3A_522 : vector<16xf32>
        %add3A_524 = arith.constant 25 : i32
        %add3A_525 = vector.broadcast %add3A_524 : i32 to vector<16xi32>
        %add3A_526 = arith.addi %shift_left3A_109, %add3A_525 : vector<16xi32>
        %gather3A_527 = tpu.vector_load_idx %arg15[%add3A_100, %add3A_526] : memref<128x128xf32, #tpu.memory_space<vmem>>[vector<16xi32>, vector<16xi32>], vector<16xf32>,
        %add3A_528 = arith.constant 25 : i32
        %add3A_529 = vector.broadcast %add3A_528 : i32 to vector<16xi32>
        %add3A_530 = arith.addi %shift_left3A_116, %add3A_529 : vector<16xi32>
        %gather3A_531 = tpu.vector_load_idx %arg17[%add3A_100, %add3A_530] : memref<128x128xf32, #tpu.memory_space<vmem>>[vector<16xi32>, vector<16xi32>], vector<16xf32>,
        %add3A_532 = arith.constant 25 : i32
        %add3A_533 = vector.broadcast %add3A_532 : i32 to vector<16xi32>
        %add3A_534 = arith.addi %shift_left3A_123, %add3A_533 : vector<16xi32>
        %gather3A_535 = tpu.vector_load_idx %arg13[%shift_right_logical3A_119, %add3A_534] : memref<250x128xf32, #tpu.memory_space<vmem>>[vector<16xi32>, vector<16xi32>], vector<16xf32>,
        %add3A_536 = arith.addf %gather3A_527, %gather3A_535 : vector<16xf32>
        %sub3A_537 = arith.subf %add3A_536, %gather3A_531 : vector<16xf32>
        %mul3A_538 = arith.mulf %sub3A_537, %sub3A_537 : vector<16xf32>
        %add3A_539 = arith.addf %add3A_523, %mul3A_538 : vector<16xf32>
        %add3A_540 = arith.constant 26 : i32
        %add3A_541 = vector.broadcast %add3A_540 : i32 to vector<16xi32>
        %add3A_542 = arith.addi %shift_left3A_109, %add3A_541 : vector<16xi32>
        %gather3A_543 = tpu.vector_load_idx %arg15[%add3A_100, %add3A_542] : memref<128x128xf32, #tpu.memory_space<vmem>>[vector<16xi32>, vector<16xi32>], vector<16xf32>,
        %add3A_544 = arith.constant 26 : i32
        %add3A_545 = vector.broadcast %add3A_544 : i32 to vector<16xi32>
        %add3A_546 = arith.addi %shift_left3A_116, %add3A_545 : vector<16xi32>
        %gather3A_547 = tpu.vector_load_idx %arg17[%add3A_100, %add3A_546] : memref<128x128xf32, #tpu.memory_space<vmem>>[vector<16xi32>, vector<16xi32>], vector<16xf32>,
        %add3A_548 = arith.constant 26 : i32
        %add3A_549 = vector.broadcast %add3A_548 : i32 to vector<16xi32>
        %add3A_550 = arith.addi %shift_left3A_123, %add3A_549 : vector<16xi32>
        %gather3A_551 = tpu.vector_load_idx %arg13[%shift_right_logical3A_119, %add3A_550] : memref<250x128xf32, #tpu.memory_space<vmem>>[vector<16xi32>, vector<16xi32>], vector<16xf32>,
        %add3A_552 = arith.addf %gather3A_543, %gather3A_551 : vector<16xf32>
        %sub3A_553 = arith.subf %add3A_552, %gather3A_547 : vector<16xf32>
        %mul3A_554 = arith.mulf %sub3A_553, %sub3A_553 : vector<16xf32>
        %add3A_555 = arith.addf %add3A_539, %mul3A_554 : vector<16xf32>
        %add3A_556 = arith.constant 27 : i32
        %add3A_557 = vector.broadcast %add3A_556 : i32 to vector<16xi32>
        %add3A_558 = arith.addi %shift_left3A_109, %add3A_557 : vector<16xi32>
        %gather3A_559 = tpu.vector_load_idx %arg15[%add3A_100, %add3A_558] : memref<128x128xf32, #tpu.memory_space<vmem>>[vector<16xi32>, vector<16xi32>], vector<16xf32>,
        %add3A_560 = arith.constant 27 : i32
        %add3A_561 = vector.broadcast %add3A_560 : i32 to vector<16xi32>
        %add3A_562 = arith.addi %shift_left3A_116, %add3A_561 : vector<16xi32>
        %gather3A_563 = tpu.vector_load_idx %arg17[%add3A_100, %add3A_562] : memref<128x128xf32, #tpu.memory_space<vmem>>[vector<16xi32>, vector<16xi32>], vector<16xf32>,
        %add3A_564 = arith.constant 27 : i32
        %add3A_565 = vector.broadcast %add3A_564 : i32 to vector<16xi32>
        %add3A_566 = arith.addi %shift_left3A_123, %add3A_565 : vector<16xi32>
        %gather3A_567 = tpu.vector_load_idx %arg13[%shift_right_logical3A_119, %add3A_566] : memref<250x128xf32, #tpu.memory_space<vmem>>[vector<16xi32>, vector<16xi32>], vector<16xf32>,
        %add3A_568 = arith.addf %gather3A_559, %gather3A_567 : vector<16xf32>
        %sub3A_569 = arith.subf %add3A_568, %gather3A_563 : vector<16xf32>
        %mul3A_570 = arith.mulf %sub3A_569, %sub3A_569 : vector<16xf32>
        %add3A_571 = arith.addf %add3A_555, %mul3A_570 : vector<16xf32>
        %add3A_572 = arith.constant 28 : i32
        %add3A_573 = vector.broadcast %add3A_572 : i32 to vector<16xi32>
        %add3A_574 = arith.addi %shift_left3A_109, %add3A_573 : vector<16xi32>
        %gather3A_575 = tpu.vector_load_idx %arg15[%add3A_100, %add3A_574] : memref<128x128xf32, #tpu.memory_space<vmem>>[vector<16xi32>, vector<16xi32>], vector<16xf32>,
        %add3A_576 = arith.constant 28 : i32
        %add3A_577 = vector.broadcast %add3A_576 : i32 to vector<16xi32>
        %add3A_578 = arith.addi %shift_left3A_116, %add3A_577 : vector<16xi32>
        %gather3A_579 = tpu.vector_load_idx %arg17[%add3A_100, %add3A_578] : memref<128x128xf32, #tpu.memory_space<vmem>>[vector<16xi32>, vector<16xi32>], vector<16xf32>,
        %add3A_580 = arith.constant 28 : i32
        %add3A_581 = vector.broadcast %add3A_580 : i32 to vector<16xi32>
        %add3A_582 = arith.addi %shift_left3A_123, %add3A_581 : vector<16xi32>
        %gather3A_583 = tpu.vector_load_idx %arg13[%shift_right_logical3A_119, %add3A_582] : memref<250x128xf32, #tpu.memory_space<vmem>>[vector<16xi32>, vector<16xi32>], vector<16xf32>,
        %add3A_584 = arith.addf %gather3A_575, %gather3A_583 : vector<16xf32>
        %sub3A_585 = arith.subf %add3A_584, %gather3A_579 : vector<16xf32>
        %mul3A_586 = arith.mulf %sub3A_585, %sub3A_585 : vector<16xf32>
        %add3A_587 = arith.addf %add3A_571, %mul3A_586 : vector<16xf32>
        %add3A_588 = arith.constant 29 : i32
        %add3A_589 = vector.broadcast %add3A_588 : i32 to vector<16xi32>
        %add3A_590 = arith.addi %shift_left3A_109, %add3A_589 : vector<16xi32>
        %gather3A_591 = tpu.vector_load_idx %arg15[%add3A_100, %add3A_590] : memref<128x128xf32, #tpu.memory_space<vmem>>[vector<16xi32>, vector<16xi32>], vector<16xf32>,
        %add3A_592 = arith.constant 29 : i32
        %add3A_593 = vector.broadcast %add3A_592 : i32 to vector<16xi32>
        %add3A_594 = arith.addi %shift_left3A_116, %add3A_593 : vector<16xi32>
        %gather3A_595 = tpu.vector_load_idx %arg17[%add3A_100, %add3A_594] : memref<128x128xf32, #tpu.memory_space<vmem>>[vector<16xi32>, vector<16xi32>], vector<16xf32>,
        %add3A_596 = arith.constant 29 : i32
        %add3A_597 = vector.broadcast %add3A_596 : i32 to vector<16xi32>
        %add3A_598 = arith.addi %shift_left3A_123, %add3A_597 : vector<16xi32>
        %gather3A_599 = tpu.vector_load_idx %arg13[%shift_right_logical3A_119, %add3A_598] : memref<250x128xf32, #tpu.memory_space<vmem>>[vector<16xi32>, vector<16xi32>], vector<16xf32>,
        %add3A_600 = arith.addf %gather3A_591, %gather3A_599 : vector<16xf32>
        %sub3A_601 = arith.subf %add3A_600, %gather3A_595 : vector<16xf32>
        %mul3A_602 = arith.mulf %sub3A_601, %sub3A_601 : vector<16xf32>
        %add3A_603 = arith.addf %add3A_587, %mul3A_602 : vector<16xf32>
        %add3A_604 = arith.constant 30 : i32
        %add3A_605 = vector.broadcast %add3A_604 : i32 to vector<16xi32>
        %add3A_606 = arith.addi %shift_left3A_109, %add3A_605 : vector<16xi32>
        %gather3A_607 = tpu.vector_load_idx %arg15[%add3A_100, %add3A_606] : memref<128x128xf32, #tpu.memory_space<vmem>>[vector<16xi32>, vector<16xi32>], vector<16xf32>,
        %add3A_608 = arith.constant 30 : i32
        %add3A_609 = vector.broadcast %add3A_608 : i32 to vector<16xi32>
        %add3A_610 = arith.addi %shift_left3A_116, %add3A_609 : vector<16xi32>
        %gather3A_611 = tpu.vector_load_idx %arg17[%add3A_100, %add3A_610] : memref<128x128xf32, #tpu.memory_space<vmem>>[vector<16xi32>, vector<16xi32>], vector<16xf32>,
        %add3A_612 = arith.constant 30 : i32
        %add3A_613 = vector.broadcast %add3A_612 : i32 to vector<16xi32>
        %add3A_614 = arith.addi %shift_left3A_123, %add3A_613 : vector<16xi32>
        %gather3A_615 = tpu.vector_load_idx %arg13[%shift_right_logical3A_119, %add3A_614] : memref<250x128xf32, #tpu.memory_space<vmem>>[vector<16xi32>, vector<16xi32>], vector<16xf32>,
        %add3A_616 = arith.addf %gather3A_607, %gather3A_615 : vector<16xf32>
        %sub3A_617 = arith.subf %add3A_616, %gather3A_611 : vector<16xf32>
        %mul3A_618 = arith.mulf %sub3A_617, %sub3A_617 : vector<16xf32>
        %add3A_619 = arith.addf %add3A_603, %mul3A_618 : vector<16xf32>
        %add3A_620 = arith.constant 31 : i32
        %add3A_621 = vector.broadcast %add3A_620 : i32 to vector<16xi32>
        %add3A_622 = arith.addi %shift_left3A_109, %add3A_621 : vector<16xi32>
        %gather3A_623 = tpu.vector_load_idx %arg15[%add3A_100, %add3A_622] : memref<128x128xf32, #tpu.memory_space<vmem>>[vector<16xi32>, vector<16xi32>], vector<16xf32>,
        %add3A_624 = arith.constant 31 : i32
        %add3A_625 = vector.broadcast %add3A_624 : i32 to vector<16xi32>
        %add3A_626 = arith.addi %shift_left3A_116, %add3A_625 : vector<16xi32>
        %gather3A_627 = tpu.vector_load_idx %arg17[%add3A_100, %add3A_626] : memref<128x128xf32, #tpu.memory_space<vmem>>[vector<16xi32>, vector<16xi32>], vector<16xf32>,
        %add3A_628 = arith.constant 31 : i32
        %add3A_629 = vector.broadcast %add3A_628 : i32 to vector<16xi32>
        %add3A_630 = arith.addi %shift_left3A_123, %add3A_629 : vector<16xi32>
        %gather3A_631 = tpu.vector_load_idx %arg13[%shift_right_logical3A_119, %add3A_630] : memref<250x128xf32, #tpu.memory_space<vmem>>[vector<16xi32>, vector<16xi32>], vector<16xf32>,
        %add3A_632 = arith.addf %gather3A_623, %gather3A_631 : vector<16xf32>
        %sub3A_633 = arith.subf %add3A_632, %gather3A_627 : vector<16xf32>
        %mul3A_634 = arith.mulf %sub3A_633, %sub3A_633 : vector<16xf32>
        %add3A_635 = arith.addf %add3A_619, %mul3A_634 : vector<16xf32>
        %neg3A = arith.constant 0.000000e+00 : f32
        %neg3A_636 = vector.broadcast %neg3A : f32 to vector<16xf32>
        %neg3A_637 = arith.subf %neg3A_636, %add3A_635 : vector<16xf32>
        %swap3A = arith.index_cast %add3A_96 : i32 to index
        %swap3A_638 = tpu.vector_load %arg18[%swap3A] {strides = array<i32>} : memref<2048xf32, #tpu.memory_space<vmem>>, vector<16xf32>,
        tpu.vector_store %arg18[%swap3A], %neg3A_637 {strides = array<i32>} : memref<2048xf32, #tpu.memory_space<vmem>>, vector<16xf32>,
      }
      %scan3A_83 = arith.constant 8 : i32
      %add3A_84 = arith.constant 2 : i32
      %add3A_85 = arith.addi %add3A_65, %add3A_84 : i32
      %lt3A_86 = arith.constant 16 : i32
      %lt3A_87 = arith.cmpi slt, %add3A_85, %lt3A_86 : i32
      %convert_element_type3A_88 = arith.extui %lt3A_87 : i1 to i32
      %cond3A_89 = arith.constant 0 : i32
      %cond3A_90 = arith.cmpi ne, %convert_element_type3A_88, %cond3A_89 : i32
      scf.if %cond3A_90 {
        %mul3A_91 = arith.constant 128 : i32
        %mul3A_92 = arith.muli %add3A_85, %mul3A_91 : i32
        %dma_start3A_93 = tpu.memref_slice %arg11[%mul3A_92] : memref<2048xi32, #tpu.memory_space<vmem>> -> memref<128xi32, #tpu.memory_space<vmem>>
        %dma_start3A_94 = arith.constant 0 : i32
        %dma_start3A_95 = arith.constant 0 : i32
        %dma_start3A_96 = tpu.memref_slice %arg5[%dma_start3A_94, %dma_start3A_95] : memref<253952x128xf32, #tpu.memory_space<hbm>> -> memref<253952x128xf32, #tpu.memory_space<hbm>>
        tpu.enqueue_indirect_dma source(%dma_start3A_96 : memref<253952x128xf32, #tpu.memory_space<hbm>>) target(%arg15 : memref<128x128xf32, #tpu.memory_space<vmem>>) offsets(%dma_start3A_93 : memref<128xi32, #tpu.memory_space<vmem>>) semaphore(%arg20 : memref<!tpu.dma_semaphore, #tpu.memory_space<semaphore_mem>>)
        %dma_start3A_97 = tpu.memref_slice %arg12[%mul3A_92] : memref<2048xi32, #tpu.memory_space<vmem>> -> memref<128xi32, #tpu.memory_space<vmem>>
        %dma_start3A_98 = arith.constant 0 : i32
        %dma_start3A_99 = arith.constant 0 : i32
        %dma_start3A_100 = tpu.memref_slice %arg5[%dma_start3A_98, %dma_start3A_99] : memref<253952x128xf32, #tpu.memory_space<hbm>> -> memref<253952x128xf32, #tpu.memory_space<hbm>>
        tpu.enqueue_indirect_dma source(%dma_start3A_100 : memref<253952x128xf32, #tpu.memory_space<hbm>>) target(%arg17 : memref<128x128xf32, #tpu.memory_space<vmem>>) offsets(%dma_start3A_97 : memref<128xi32, #tpu.memory_space<vmem>>) semaphore(%arg20 : memref<!tpu.dma_semaphore, #tpu.memory_space<semaphore_mem>>)
      } else {
      }
    }
    %scan3A_35 = arith.constant 8 : i32
    "tpu.region"() ({
      %run_scoped3A = tpu.sem_alloc : memref<!tpu.dma_semaphore, #tpu.memory_space<semaphore_mem>>
      %dma_start3A_36 = tpu.memref_slice %arg7[%mul3A_2] : memref<65536xf32, #tpu.memory_space<hbm>> -> memref<2048xf32, #tpu.memory_space<hbm>>
      %dma_start3A_37 = tpu.memref_slice %arg7[%mul3A_2] : memref<65536xf32, #tpu.memory_space<hbm>> -> memref<2048xf32, #tpu.memory_space<hbm>>
      tpu.enqueue_dma source(%arg18 : memref<2048xf32, #tpu.memory_space<vmem>>) target(%dma_start3A_37 : memref<2048xf32, #tpu.memory_space<hbm>>) target_semaphore(%run_scoped3A : memref<!tpu.dma_semaphore, #tpu.memory_space<semaphore_mem>>)
      %dma_wait3A = tpu.memref_slice %arg7[%mul3A_2] : memref<65536xf32, #tpu.memory_space<hbm>> -> memref<2048xf32, #tpu.memory_space<hbm>>
      %dma_wait3A_38 = tpu.memref_slice %arg7[%mul3A_2] : memref<65536xf32, #tpu.memory_space<hbm>> -> memref<2048xf32, #tpu.memory_space<hbm>>
      tpu.wait_dma2 semaphore(%run_scoped3A : memref<!tpu.dma_semaphore, #tpu.memory_space<semaphore_mem>>) src(%arg18 : memref<2048xf32, #tpu.memory_space<vmem>>) dst(%dma_wait3A_38 : memref<2048xf32, #tpu.memory_space<hbm>>)
      tpu.yield
    }) : () -> ()
    return
  }
}

module attributes {stable_mosaic.version = 14 : i64} {
  func.func @pack_body(%arg0: i32, %arg1: memref<32x32768xf32, #tpu.memory_space<vmem>>, %arg2: memref<8192x128xf32, #tpu.memory_space<vmem>>) attributes {dimension_semantics = [#tpu.dimension_semantics<arbitrary>], iteration_bounds = array<i64: 31>, scalar_prefetch = 0 : i64, scratch_operands = 0 : i64, tpu.core_type = #tpu.core_type<tc>, window_params = [{transform_indices = @transform_0, window_bounds = array<i64: 32, 32768>}, {transform_indices = @transform_1, window_bounds = array<i64: 8192, 128>}]} {
    %get3A = arith.constant 0 : index
    %get3A_0 = arith.constant 0 : index
    %get3A_1 = vector.load %arg1[%get3A, %get3A_0] : memref<32x32768xf32, #tpu.memory_space<vmem>>, vector<32x8192xf32>
    %transpose3A = tpu.transpose %get3A_1, [1, 0] : vector<32x8192xf32> -> vector<8192x32xf32>
    %get3A_2 = arith.constant 0 : index
    %get3A_3 = arith.constant 8192 : index
    %get3A_4 = vector.load %arg1[%get3A_2, %get3A_3] : memref<32x32768xf32, #tpu.memory_space<vmem>>, vector<32x8192xf32>
    %transpose3A_5 = tpu.transpose %get3A_4, [1, 0] : vector<32x8192xf32> -> vector<8192x32xf32>
    %get3A_6 = arith.constant 0 : index
    %get3A_7 = arith.constant 16384 : index
    %get3A_8 = vector.load %arg1[%get3A_6, %get3A_7] : memref<32x32768xf32, #tpu.memory_space<vmem>>, vector<32x8192xf32>
    %transpose3A_9 = tpu.transpose %get3A_8, [1, 0] : vector<32x8192xf32> -> vector<8192x32xf32>
    %get3A_10 = arith.constant 0 : index
    %get3A_11 = arith.constant 24576 : index
    %get3A_12 = vector.load %arg1[%get3A_10, %get3A_11] : memref<32x32768xf32, #tpu.memory_space<vmem>>, vector<32x8192xf32>
    %transpose3A_13 = tpu.transpose %get3A_12, [1, 0] : vector<32x8192xf32> -> vector<8192x32xf32>
    %concatenate3A = tpu.concatenate %transpose3A, %transpose3A_5, %transpose3A_9, %transpose3A_13 in 1 : vector<8192x32xf32>, vector<8192x32xf32>, vector<8192x32xf32>, vector<8192x32xf32> -> vector<8192x128xf32>
    %swap3A = arith.constant 0 : index
    %swap3A_14 = arith.constant 0 : index
    %swap3A_15 = vector.load %arg2[%swap3A, %swap3A_14] : memref<8192x128xf32, #tpu.memory_space<vmem>>, vector<8192x128xf32>
    tpu.vector_store %arg2[%swap3A, %swap3A_14], %concatenate3A {strides = array<i32>} : memref<8192x128xf32, #tpu.memory_space<vmem>>, vector<8192x128xf32>,
    return
  }
  func.func @transform_0(%arg0: i32) -> (i32, i32) {
    %c0_i32 = arith.constant 0 : i32
    %c0_i32_0 = arith.constant 0 : i32
    return %c0_i32, %arg0 : i32, i32
  }
  func.func @transform_1(%arg0: i32) -> (i32, i32) {
    %c0_i32 = arith.constant 0 : i32
    %c0_i32_0 = arith.constant 0 : i32
    return %arg0, %c0_i32 : i32, i32
  }
}

</mosaic_0001>

<sc_bundles>
// kernel: kernel.4.cloned.1.call-start
scs
__scs_entry_jumppad:
0x0: {  	(pc) =	sbr.rel $0x88, $3  }
0x1: {  	(tag) =	ssettag $0x0;
	lr =	simm.s32 $0x1  }
0x2: {  	[smem:$0x3F9C] =	sst lr;
	_ =	strace $0xD0000000  }
0x3: {  	_ = 	snop  }
0x4: {  	_ = 	snop  }
0x5: {  	_ = 	snop  }
0x6: {  	_ = 	snop  }
0x7: {  	_ = 	snop  }
__scs_overlays_trampoline_lowered:
0x8: {  	[smem:$0x3FAB] =	sst s0  }
0x9: {  	[smem:$0x3FAC] =	sst s1  }
0xa: {  	[smem:$0x3FAD] =	sst s2  }
0xb: {  	[smem:$0x3FAE] =	sst s3  }
0xc: {  	[smem:$0x3FAF] =	sst s4  }
0xd: {  	[smem:$0x3FB0] =	sst s5  }
0xe: {  	[smem:$0x3FB1] =	sst s6  }
0xf: {  	[smem:$0x3FB2] =	sst s7  }
0x10: {  	[smem:$0x3FB3] =	sst s8  }
0x11: {  	[smem:$0x3FB4] =	sst s9;
	s0 =	simm.s32 @!p0 $0x0  }
0x12: {  	s1 =	sld [smem:$0x3F9A];
	s0 =	simm.s32 @p0 $0x1  }
0x13: {  	[smem:$0x3FB5] =	sst s0;
	s0 =	simm.s32 @!p1 $0x0  }
0x14: {  	s2 =	sld [smem:$0x3F99];
	s0 =	simm.s32 @p1 $0x1  }
0x15: {  	[smem:$0x3FB6] =	sst s0;
	s0 =	simm.s32 @!p2 $0x0  }
0x16: {  	s3 =	sld [smem:$0x3FDB];
	s0 =	simm.s32 @p2 $0x1  }
0x17: {  	s4 =	simm.s32 $0x1BF5;
	[smem:$0x3FB8] =	sst s0  }
0x18: {  	s0 =	sld [smem:$0x3F9B];
	_ =	swait.ge [sflag:s4], $0x0  }
0x19: {  	s7 =	sld [smem:$0x3F9C]  }
0x1a: {  	s8 =	sadd.s32 $0xFFFFE003, lr  }
0x1b: {  	s9 =	sadd.s32 $0xFFFFFEF7, lr;
	s5 =	simm.s32 $0xFFFFFFFF;
	p2 =	slt.u32 s8, $0xFFFFF086  }
0x1c: {  	p1 =	slt.u32 s9, $0xF7A;
	s5 =	simm.s32 @!p2 $0x0  }
0x1d: {  	s5 =	simm.s32 @p1 $0x1;
	p0 =	seq.s32 s7, s2  }
0x1e: {  	s7 =	smul.u32 @!p0 $0xF7A, s2;
	p2 =	seq.s32 @!p0 s5, $0x0  }
0x1f: {  	s9 =	smul.u32 $0xF7A, s1;
	s8 =	simm.s32 @!p0 $0x1BF5;
	p2 =	por !p2, p0  }
0x20: {  	[sflag:s8] =	ssyncset.s32 @!p0 $0xFFFFF086;
	s6 =	sadd.s32 @!p0 s3, s7;
	s7 =	simm.s32 @!p0 $0x108  }
0x21: {  	s3 =	sadd.s32 s3, s9;
	s6 =	sadd.s32 @!p0 $0x88, s6;
	s7 =	simm.s32 @p2 $0x1082  }
0x22: {  	[simem:s7], [sflag:s8] =	dma.local @!p0 [hbm:s6], $0xF7A  }
0x23: {  	s9 =	sor.u32 $0xD0000000, s2;
	s6 =	simm.s32 $0x108;
	_ =	swait.ge @!p0 [sflag:s8], $0x0  }
0x24: {  	s3 =	sadd.s32 $0x88, s3;
	s6 =	simm.s32 @!p1 $0x1082;
	[sflag:s4] =	ssyncset.s32 $0xFFFFF086  }
0x25: {  	[simem:s6], [sflag:s4] =	dma.local [hbm:s3], $0xF7A  }
0x26: {  	[smem:$0x3F9C] =	sst s1;
	(tag) =	ssettag s2;
	_ =	strace s9  }
0x27: {  	s1 =	sld [smem:$0x3FAC]  }
0x28: {  	s2 =	sld [smem:$0x3FAD]  }
0x29: {  	s4 =	sld [smem:$0x3FAF]  }
0x2a: {  	p0 =	seq.s32 s5, $0x0;
	s5 =	sld [smem:$0x3FB0]  }
0x2b: {  	s6 =	sld [smem:$0x3FB1]  }
0x2c: {  	s7 =	sld [smem:$0x3FB2]  }
0x2d: {  	s3 =	simm.s32 $0x108;
	s8 =	sld [smem:$0x3FB3]  }
0x2e: {  	s3 =	simm.s32 @!p0 $0x1082;
	s9 =	sld [smem:$0x3FB4]  }
0x2f: {  	lr =	sadd.s32 s0, s3;
	s0 =	sld [smem:$0x3FAB]  }
0x30: {  	s3 =	sld [smem:$0x3FAE]  }
0x31: {  	[smem:$0x3FB7] =	sst s10  }
0x32: {  	s10 =	sld [smem:$0x3FB5];
	_ =	sdelay $0x3  }
0x33: {  	p0 =	seq.s32 s10, $0x1;
	s10 =	sld [smem:$0x3FB7];
	_ =	sdelay $0x3  }
0x34: {  	[smem:$0x3FB7] =	sst s10  }
0x35: {  	s10 =	sld [smem:$0x3FB6];
	_ =	sdelay $0x3  }
0x36: {  	p1 =	seq.s32 s10, $0x1;
	s10 =	sld [smem:$0x3FB7];
	_ =	sdelay $0x3  }
0x37: {  	[smem:$0x3FB7] =	sst s10  }
0x38: {  	s10 =	sld [smem:$0x3FB8]  }
0x39: {  	_ = 	snop;
	(pc) =	sbr.ind lr, $3  }
0x3a: {  	_ = 	snop  }
0x3b: {  	_ = 	snop  }
0x3c: {  	p2 =	seq.s32 s10, $0x1;
	s10 =	sld [smem:$0x3FB7]  }
0x3d: {  	_ =	shalt  }
0x3e: {  	_ =	shalt  }
0x3f: {  	_ =	shalt  }
0x40: {  	_ =	shalt  }
0x41: {  	_ =	shalt  }
0x42: {  	_ =	shalt  }
0x43: {  	_ =	shalt  }
0x44: {  	_ =	shalt  }
0x45: {  	_ =	shalt  }
0x46: {  	_ =	shalt  }
0x47: {  	_ =	shalt  }
0x48: {  	_ =	shalt  }
0x49: {  	_ =	shalt  }
0x4a: {  	_ =	shalt  }
0x4b: {  	_ =	shalt  }
0x4c: {  	_ =	shalt  }
0x4d: {  	_ =	shalt  }
0x4e: {  	_ =	shalt  }
0x4f: {  	_ =	shalt  }
0x50: {  	_ =	shalt  }
0x51: {  	_ =	shalt  }
0x52: {  	_ =	shalt  }
0x53: {  	_ =	shalt  }
0x54: {  	_ =	shalt  }
0x55: {  	_ =	shalt  }
0x56: {  	_ =	shalt  }
0x57: {  	_ =	shalt  }
0x58: {  	_ =	shalt  }
0x59: {  	_ =	shalt  }
0x5a: {  	_ =	shalt  }
0x5b: {  	_ =	shalt  }
0x5c: {  	_ =	shalt  }
0x5d: {  	_ =	shalt  }
0x5e: {  	_ =	shalt  }
0x5f: {  	_ =	shalt  }
0x60: {  	_ =	shalt  }
0x61: {  	_ =	shalt  }
0x62: {  	_ =	shalt  }
0x63: {  	_ =	shalt  }
0x64: {  	_ =	shalt  }
0x65: {  	_ =	shalt  }
0x66: {  	_ =	shalt  }
0x67: {  	_ =	shalt  }
0x68: {  	_ =	shalt  }
0x69: {  	_ =	shalt  }
0x6a: {  	_ =	shalt  }
0x6b: {  	_ =	shalt  }
0x6c: {  	_ =	shalt  }
0x6d: {  	_ =	shalt  }
0x6e: {  	_ =	shalt  }
0x6f: {  	_ =	shalt  }
0x70: {  	_ =	shalt  }
0x71: {  	_ =	shalt  }
0x72: {  	_ =	shalt  }
0x73: {  	_ =	shalt  }
0x74: {  	_ =	shalt  }
0x75: {  	_ =	shalt  }
0x76: {  	_ =	shalt  }
0x77: {  	_ =	shalt  }
0x78: {  	_ =	shalt  }
0x79: {  	_ =	shalt  }
0x7a: {  	_ =	shalt  }
0x7b: {  	_ =	shalt  }
0x7c: {  	_ =	shalt  }
0x7d: {  	_ =	shalt  }
0x7e: {  	_ =	shalt  }
0x7f: {  	_ =	shalt  }
0x80: {  	_ =	shalt  }
0x81: {  	_ =	shalt  }
0x82: {  	_ =	shalt  }
0x83: {  	_ =	shalt  }
0x84: {  	_ =	shalt  }
0x85: {  	_ =	shalt  }
0x86: {  	_ =	shalt  }
0x87: {  	_ =	shalt  }
.Lfunc_end0:
.L_simem_size_0:
called_computation_lowered:
.L_overlay_start_0:
0x88: {  	s2 =	sld [smem:$0x3FD9]  }
0x89: {  	s3 =	sld [smem:$0x3FFE];
	_ =	sdelay $0x1  }
0x8a: {  	s1 =	srdreg.scid  }
0x8b: {  	s0 =	sand.u32 $0x1, s1  }
0x8c: {  	s14 =	sshll.u32 s0, $0xA;
	s2 =	sadd.s32 s3, s2  }
0x8d: {  	s2 =	sadd.s32 s2, s14  }
0x8e: {  	[smem:$0x3FC3] =	sst s2  }
0x8f: {  	_ = 	snop  }
0x90: {  	s2 =	sld [smem:$0x3FD0];
	_ =	sdelay $0x2  }
0x91: {  	s15 =	simm.s32 $0xA;
	s4 =	simm.s32 $0x10  }
0x92: {  	[smem:s4], [sflag:s15] =	dma.local [hbm:s2], $0x1  }
0x93: {  	_ =	swait.eq [sflag:s15], $0x1  }
0x94: {  	[sflag:s15] =	ssyncset.done $0x0  }
0x95: {  	s16 =	sld [smem:$0x10];
	[sflag:s15] =	ssyncadd.s32 $0xFFFFFFFF  }
0x96: {  	s17 =	sld [smem:$0x12];
	(tm) =	ssettm $0x1  }
0x97: {  	s18 =	sld [smem:$0x3FFB];
	_ =	sdelay $0x3  }
0x98: {  	_ =	strace s18  }
0x99: {  	s4 =	sld [smem:$0x3FFC];
	_ =	sdelay $0x3  }
0x9a: {  	_ =	strace s4  }
0x9b: {  	s4 =	sld [smem:$0x3FFD];
	_ =	sdelay $0x3  }
0x9c: {  	_ =	strace s4  }
0x9d: {  	_ =	strace $0x8FFFFFFF  }
0x9e: {  	s19 =	sld [smem:$0x3FDB];
	_ =	sdelay $0x1  }
0x9f: {  	s5 =	simm.s32 $_scs_section_size  }
0xa0: {  	s6 =	simm.s32 $_size__tile_overlayer_lowered;
	s7 =	simm.s32 $_tile_overlayer_lowered  }
0xa1: {  	s22 =	simm.s32 $0x1BFF;
	s21 =	sshll.u32 s7, $0x1;
	s4 =	sadd.s32 s5, s19  }
0xa2: {  	s8 =	simm.s32 $0x0;
	s20 =	sshll.u32 s6, $0x1;
	s6 =	sadd.s32 s21, s4  }
0xa3: {  	[timem:s8], [sflag:s22] =	dma.local [hbm:s6], s20  }
0xa4: {  	_ =	swait.ge [sflag:s22], s20  }
0xa5: {  	s5 =	ssub.s32 $0x0, s20;
	[sflag:s22] =	ssyncset.done $0x0  }
0xa6: {  	[sflag:s22] =	ssyncadd.s32 s5;
	_ =	sdelay $0x1  }
0xa7: {  	s23 =	simm.s32 $0x1B8B  }
0xa8: {  	_ =	swait.ge [sflag:s23], $0x1  }
0xa9: {  	[sflag:s23] =	ssyncset.done $0x0  }
0xaa: {  	s25 =	simm.s32 $0x1B8E;
	s24 =	sld [smem:$0x3FFE];
	[sflag:s23] =	ssyncadd.s32 $0xFFFFFFFF  }
0xab: {  	s26 =	simm.s32 $execute0_lowered;
	[smem:$0x3FD2] =	sst s25  }
0xac: {  	s6 =	sshll.u32 s26, $0x1;
	_ =	strace $0x80000046;
	[dreg:$0x1] =	wrdreg $0xFFFFFFFF  }
0xad: {  	s28 =	simm.s32 $_size_execute0_lowered;
	s4 =	sadd.s32 s4, s6;
	[dreg:$0x0] =	wrdreg $0x0  }
0xae: {  	s6 =	sshll.u32 s28, $0x1;
	[dreg:$0x2] =	wrdreg s4  }
0xaf: {  	[dreg:$0x3] =	wrdreg s6  }
0xb0: {  	[dreg:$0x4] =	wrdreg $0xC0  }
0xb1: {  	_ =	task [dreg:s8], $0x5FFFF  }
0xb2: {  	[dreg:$0x1] =	wrdreg $0xFFFFFFFF  }
0xb3: {  	[dreg:$0x0] =	wrdreg $0x60  }
0xb4: {  	[dreg:$0x2] =	wrdreg s16  }
0xb5: {  	[dreg:$0x3] =	wrdreg s24  }
0xb6: {  	[dreg:$0x4] =	wrdreg s17  }
0xb7: {  	[dreg:$0x5] =	wrdreg $0x9  }
0xb8: {  	_ =	task.clear_ibuf [dreg:s8], $0x6FFFF;
	_ =	strace $0x90000046  }
0xb9: {  	s29 =	simm.s32 $0x9;
	_ =	strace $0x80000048  }
0xba: {  	_ =	swait.ge [sflag:s29], $0x1  }
0xbb: {  	[sflag:s29] =	ssyncadd.s32 $0xFFFFFFFF  }
0xbc: {  	_ =	strace $0x90000048  }
0xbd: {  	_ =	sfence  }
0xbe: {  	s30 =	sld [smem:$0x0];
	_ =	sdelay $0x2  }
0xbf: {  	s31 =	sshll.u32 s1, $0xD;
	s1 =	sshrl.u32 s1, $0x2  }
0xc0: {  	s3 =	sand.u32 $0x4000, s31;
	s1 =	sadd.s32 s1, s30  }
0xc1: {  	s0 =	sor.u32 s3, s0;
	s1 =	sshll.u32 s1, $0x11  }
0xc2: {  	s0 =	sor.u32 s1, s0  }
0xc3: {  	s0 =	sadd.s32 $0x8F2B, s0  }
0xc4: {  	[sflag:s0] =	ssyncadd.remote.s32 $0x1  }
0xc5: {  	_ =	sfence.sel $0xFFFF  }
0xc6: {  	[dreg:$0x0] =	wrdreg $0xFFFFFFFF;
	(pc) =	sbr.abs _section_cstart, $3  }
0xc7: {  	[dreg:$0x1] =	wrdreg $0xFFFFFFFF  }
0xc8: {  	_ =	task.clear_ibuf [dreg:s8], $0x2FFFF;
	_ =	strace $0x9FFFFFFF  }
0xc9: {  	(tm) =	ssettm $0x7FFFFFFF  }
tec
execute0_lowered:
.L_overlay_start_1:
0x0: {  	(tag) =	ssettag $0x1  }
0x1: {  	s0 =	rddreg [dreg:$0x0]  }
0x2: {  	s1 =	rddreg [dreg:$0x1];
	s3 =	simm.s32 $0x0  }
0x3: {  	s2 =	srdreg.scid;
	s4 =	stileid.u32;
	s10 =	simm.s32 $0x3  }
0x4: {  	s13 =	simm.s32 $0x2800;
	s15 =	simm.s32 $0xA800;
	s17 =	simm.s32 $0x12800  }
0x5: {  	s19 =	simm.s32 $0xE800;
	s21 =	simm.s32 $0x16800;
	s22 =	simm.s32 $0x1  }
0x6: {  	s23 =	simm.s32 $0x2;
	s25 =	simm.s32 $0x80;
	s26 =	simm.s32 $0x0  }
0x7: {  	[smem:$0x7FF] =	sst s3;
	s2 =	sand.u32 $0x1, s2;
	s5 =	sshll.u32 s4, $0x9  }
.Ltmp0:
0x8: {  	s4 =	sadd.s32 $0x4A00, s1;
	s6 =	sshll.u32 s2, $0x8;
	(pc) =	sbr.rel .LBB2_1-.Ltmp0, $4  }
0x9: {  	_ =	strace $0x80000047;
	s2 =	ssub.s32 $0x2, s2;
	s5 =	sor.u32 s6, s5  }
0xa: {  	s31 =	sshrl.u32 s2, $0x1;
	s1 =	sadd.s32 s5, s1;
	s0 =	sadd.s32 s0, s5  }
0xb: {  	v0 =	vlaneseq.u32;
	s2 =	ssub.s32 s2, s31;
	[dreg:$0x4] =	wrdreg s0;
	s6 =	sadd.s32 $0xA00, s1  }
0xc: {  	v0 =	vmul.u32 $0x80, v0;
	s7 =	sadd.s32 $0x2A00, s1;
	s8 =	sadd.s32 $0x3E4A00, s1;
	s9 =	smax.u32 s2, $0x1  }
.LBB2_10:
0xd: {  	s26 =	sadd.s32 $0x1, s26  }
0xe: {  	p0 =	sne.s32 s26, s9  }
.Ltmp1:
0xf: {  	s0 =	simm.s32 $0x1A800;
	(pc) =	sbr.rel @!p0 .LBB2_11-.Ltmp1, $4  }
0x10: {  	[hbm4b:s8+s3] =	stream.linear.scatter [tilespmem:s0], [sflag:$0x3], $0x800, $0x38;
	[tilespmem:$0x1B000] =	vst v63  }
0x11: {  	_ =	swait.ge [sflag:s10], $0x800  }
0x12: {  	[sflag:s10] =	ssyncset.done $0x0  }
0x13: {  	[sflag:s10] =	ssyncadd.s32 $0xFFFFF800  }
.LBB2_1:
0x14: {  	s0 =	rddreg [dreg:$0x4]  }
0x15: {  	[tilespmem:s3], [sflag:$0x3] =	stream.linear.gather [hbm4b:s0+s3], $0x800, $0x38;
	[tilespmem:$0x1B000] =	vst v63  }
0x16: {  	_ =	swait.ge [sflag:s10], $0x800  }
0x17: {  	[sflag:s10] =	ssyncset.done $0x0  }
0x18: {  	s29 =	simm.s32 $0x800;
	[sflag:s10] =	ssyncadd.s32 $0xFFFFF800  }
0x19: {  	[tilespmem:s29], [sflag:$0x3] =	stream.linear.gather [hbm4b:s6+s3], $0x800, $0x38;
	[tilespmem:$0x1B000] =	vst v63  }
0x1a: {  	_ =	swait.ge [sflag:s10], $0x800  }
0x1b: {  	[sflag:s10] =	ssyncset.done $0x0  }
0x1c: {  	s30 =	simm.s32 $0x1000;
	[sflag:s10] =	ssyncadd.s32 $0xFFFFF800  }
0x1d: {  	[tilespmem:s30], [sflag:$0x3] =	stream.linear.gather [hbm4b:s7+s3], $0x800, $0x38;
	[tilespmem:$0x1B000] =	vst v63  }
0x1e: {  	_ =	swait.ge [sflag:s10], $0x800  }
0x1f: {  	[sflag:s10] =	ssyncset.done $0x0  }
0x20: {  	[sflag:s10] =	ssyncadd.s32 $0xFFFFF800  }
0x21: {  	s31 =	rddreg [dreg:$0x2]  }
0x22: {  	[tilespmem:s13], [sflag:$0x3] =	stream.linear.gather [hbm4b:s31+s3], $0x7D00, $0x38;
	[tilespmem:$0x1B000] =	vst v63  }
0x23: {  	_ =	swait.ge [sflag:s10], $0x7D00  }
0x24: {  	[sflag:s10] =	ssyncset.done $0x0  }
0x25: {  	s0 =	simm.s32 $0x0;
	[sflag:s10] =	ssyncadd.s32 $0xFFFF8300  }
0x26: {  	v1 =	vld [tilespmem:s0+$0x800]  }
0x27: {  	v2 =	vld [tilespmem:s0+$0x0];
	_ =	sdelay $0x1  }
0x28: {  	s1 =	simm.s32 $0x40  }
.LBB2_2:
0x29: {  	p0 =	sne.s32 s1, $0x1FC0  }
.Ltmp2:
0x2a: {  	s2 =	sshra.s32 s1, $0x2;
	s1 =	sadd.s32 $0x40, s1;
	v3 =	vshrl.u32 v1, $0x2;
	(pc) =	sbr.rel @p0 .LBB2_2-.Ltmp2, $4  }
0x2b: {  	v5 =	vand.u32 $0x1FFF, v1;
	v4 =	vshrl.u32 v2, $0x2;
	v3 =	vand.u32 $0x3FFFE000, v3;
	v1 =	vld [tilespmem:s2+$0x800]  }
0x2c: {  	v6 =	vand.u32 $0x1FFF, v2;
	v4 =	vand.u32 $0x3FFFE000, v4;
	v2 =	vld [tilespmem:s2+$0x0];
	v3 =	vor.u32 v5, v3  }
0x2d: {  	v4 =	vor.u32 v6, v4;
	[tilespmem:s0+$0x2000] =	vst v3  }
0x2e: {  	[tilespmem:s0+$0x1800] =	vst v4;
	s0 =	smov.u32 s2  }
0x2f: {  	_ = 	snop  }
0x30: {  	v3 =	vshrl.u32 v1, $0x2  }
0x31: {  	v1 =	vand.u32 $0x1FFF, v1;
	v4 =	vshrl.u32 v2, $0x2;
	v3 =	vand.u32 $0x3FFFE000, v3  }
0x32: {  	v2 =	vand.u32 $0x1FFF, v2;
	v4 =	vand.u32 $0x3FFFE000, v4;
	v1 =	vor.u32 v1, v3  }
0x33: {  	s28 =	simm.s32 $0x80;
	v2 =	vor.u32 v2, v4;
	[tilespmem:s0+$0x2000] =	vst v1  }
0x34: {  	s24 =	simm.s32 $0x1800;
	s29 =	simm.s32 $0x2000;
	s30 =	simm.s32 $0x1880;
	[tilespmem:s0+$0x1800] =	vst v2  }
0x35: {  	[tilespmem:s15], [sflag:$0x1] =	stream.indirect.gather [hbm4b:s4+s28], $0x80, s24, s28, $0xb8;
	[tilespmem:$0x1B000] =	vst v63  }
0x36: {  	s31 =	simm.s32 $0x2080;
	s20 =	simm.s32 $0x800;
	s18 =	simm.s32 $0x1000  }
0x37: {  	[tilespmem:s17], [sflag:$0x1] =	stream.indirect.gather [hbm4b:s4+s28], $0x80, s29, s28, $0xb8;
	[tilespmem:$0x1B000] =	vst v63  }
0x38: {  	s16 =	simm.s32 $0x1A800;
	s2 =	simm.s32 $0x1A880;
	s1 =	simm.s32 $0x1080  }
0x39: {  	[tilespmem:s19], [sflag:$0x2] =	stream.indirect.gather [hbm4b:s4+s28], $0x80, s30, s28, $0xb8;
	[tilespmem:$0x1B000] =	vst v63  }
0x3a: {  	s11 =	simm.s32 $0x880;
	s12 =	simm.s32 $0x0;
	s24 =	simm.s32 $0x0  }
0x3b: {  	[tilespmem:s21], [sflag:$0x2] =	stream.indirect.gather [hbm4b:s4+s28], $0x80, s31, s28, $0xb8;
	[tilespmem:$0x1B000] =	vst v63  }
.LBB2_4:
0x3c: {  	_ =	swait.ge [sflag:s22], $0x4000  }
0x3d: {  	[sflag:s22] =	ssyncset.done $0x0  }
0x3e: {  	[sflag:s22] =	ssyncadd.s32 $0xFFFFC000  }
0x3f: {  	s14 =	sshll.u32 s12, $0x8;
	s0 =	smov.u32 s16;
	_ =	swait.ge [sflag:s22], $0x4000  }
0x40: {  	s31 =	smov.u32 s18;
	s30 =	smov.u32 s20;
	[sflag:s22] =	ssyncset.done $0x0  }
0x41: {  	s29 =	smov.u32 s24;
	s5 =	simm.s32 $0x0;
	[sflag:s22] =	ssyncadd.s32 $0xFFFFC000  }
.LBB2_5:
0x42: {  	v1 =	vld [tilespmem:s29+$0x0]  }
0x43: {  	v2 =	vld [tilespmem:s30+$0x0];
	_ =	sdelay $0x2  }
0x44: {  	v3 =	vmov s5;
	v4 =	vld [tilespmem:s31+$0x0]  }
0x45: {  	v3 =	vshll.u32 v3, $0x7;
	v1 =	vshrl.u32 v1, $0x8  }
0x46: {  	v5 =	vor.u32 v0, v3;
	v2 =	vshrl.u32 v2, $0x8;
	v1 =	vand.u32 $0x60, v1  }
0x47: {  	v2 =	vand.u32 $0x60, v2;
	v3 =	vor.u32 v5, v1  }
0x48: {  	v1 =	vor.u32 v5, v2  }
0x49: {  	v2 =	vshll.u32 v4, $0x5  }
0x4a: {  	v62 =	vor.u32 $0x1, v3  }
0x4b: {  	v5 =	vor.u32 $0x1, v1  }
0x4c: {  	v7 =	vor.u32 $0x1, v2;
	v6 =	vld.idx.msk [tilespmem:v3+s15+$0x0], $0xffff  }
0x4d: {  	v9 =	vor.u32 $0x2, v3;
	v8 =	vld.idx.msk [tilespmem:v1+s17+$0x0], $0xffff  }
0x4e: {  	v11 =	vor.u32 $0x2, v1;
	v10 =	vld.idx.msk [tilespmem:v2+s13+$0x0], $0xffff  }
0x4f: {  	v12 =	vor.u32 $0x2, v2;
	v4 =	vld.idx.msk [tilespmem:v62+s15+$0x0], $0xffff  }
0x50: {  	v13 =	vor.u32 $0x3, v3;
	v5 =	vld.idx.msk [tilespmem:v5+s17+$0x0], $0xffff  }
0x51: {  	v14 =	vor.u32 $0x3, v1;
	v7 =	vld.idx.msk [tilespmem:v7+s13+$0x0], $0xffff  }
0x52: {  	v15 =	vor.u32 $0x3, v2;
	v9 =	vld.idx.msk [tilespmem:v9+s15+$0x0], $0xffff  }
0x53: {  	v16 =	vor.u32 $0x4, v3;
	v11 =	vld.idx.msk [tilespmem:v11+s17+$0x0], $0xffff  }
0x54: {  	v17 =	vor.u32 $0x4, v1;
	v12 =	vld.idx.msk [tilespmem:v12+s13+$0x0], $0xffff  }
0x55: {  	v18 =	vor.u32 $0x4, v2;
	v13 =	vld.idx.msk [tilespmem:v13+s15+$0x0], $0xffff  }
0x56: {  	v19 =	vor.u32 $0x5, v3;
	v14 =	vld.idx.msk [tilespmem:v14+s17+$0x0], $0xffff  }
0x57: {  	v20 =	vor.u32 $0x5, v1;
	v15 =	vld.idx.msk [tilespmem:v15+s13+$0x0], $0xffff  }
0x58: {  	v21 =	vor.u32 $0x5, v2;
	v16 =	vld.idx.msk [tilespmem:v16+s15+$0x0], $0xffff  }
0x59: {  	v22 =	vor.u32 $0x6, v3;
	v17 =	vld.idx.msk [tilespmem:v17+s17+$0x0], $0xffff  }
0x5a: {  	v23 =	vor.u32 $0x6, v1;
	v18 =	vld.idx.msk [tilespmem:v18+s13+$0x0], $0xffff  }
0x5b: {  	v24 =	vor.u32 $0x6, v2;
	v19 =	vld.idx.msk [tilespmem:v19+s15+$0x0], $0xffff  }
0x5c: {  	v25 =	vor.u32 $0x7, v3;
	v20 =	vld.idx.msk [tilespmem:v20+s17+$0x0], $0xffff  }
0x5d: {  	v26 =	vor.u32 $0x7, v1;
	v21 =	vld.idx.msk [tilespmem:v21+s13+$0x0], $0xffff  }
0x5e: {  	v27 =	vor.u32 $0x7, v2;
	v22 =	vld.idx.msk [tilespmem:v22+s15+$0x0], $0xffff  }
0x5f: {  	v28 =	vor.u32 $0x8, v3;
	v23 =	vld.idx.msk [tilespmem:v23+s17+$0x0], $0xffff  }
0x60: {  	v30 =	vor.u32 $0x8, v2;
	v24 =	vld.idx.msk [tilespmem:v24+s13+$0x0], $0xffff  }
0x61: {  	v33 =	vor.u32 $0x9, v2;
	v25 =	vld.idx.msk [tilespmem:v25+s15+$0x0], $0xffff  }
0x62: {  	v39 =	vor.u32 $0xB, v3;
	v26 =	vld.idx.msk [tilespmem:v26+s17+$0x0], $0xffff  }
0x63: {  	v47 =	vor.u32 $0xC, v2;
	v27 =	vld.idx.msk [tilespmem:v27+s13+$0x0], $0xffff  }
0x64: {  	v49 =	vor.u32 $0xD, v3;
	v28 =	vld.idx.msk [tilespmem:v28+s15+$0x0], $0xffff  }
0x65: {  	v63 =	vor.u32 $0xA, v3;
	v36 =	vld.idx.msk [tilespmem:v30+s13+$0x0], $0xffff  }
0x66: {  	v29 =	vor.u32 $0x8, v1;
	v40 =	vld.idx.msk [tilespmem:v33+s13+$0x0], $0xffff  }
0x67: {  	v32 =	vor.u32 $0x9, v1;
	v46 =	vld.idx.msk [tilespmem:v39+s15+$0x0], $0xffff  }
0x68: {  	v43 =	vor.u32 $0xB, v2;
	v55 =	vld.idx.msk [tilespmem:v47+s13+$0x0], $0xffff  }
0x69: {  	v51 =	vor.u32 $0xD, v1;
	v58 =	vld.idx.msk [tilespmem:v49+s15+$0x0], $0xffff  }
0x6a: {  	v52 =	vor.u32 $0xD, v2;
	v6 =	vadd.f32 v10, v6;
	v10 =	vld.idx.msk [tilespmem:v63+s15+$0x0], $0xffff  }
0x6b: {  	v56 =	vor.u32 $0xE, v1;
	v4 =	vadd.f32 v7, v4;
	v7 =	vld.idx.msk [tilespmem:v29+s17+$0x0], $0xffff  }
0x6c: {  	v59 =	vor.u32 $0xE, v2;
	v9 =	vadd.f32 v12, v9;
	v12 =	vld.idx.msk [tilespmem:v32+s17+$0x0], $0xffff  }
0x6d: {  	v61 =	vor.u32 $0xF, v3;
	v42 =	vadd.f32 v15, v13;
	v13 =	vld.idx.msk [tilespmem:v43+s13+$0x0], $0xffff  }
0x6e: {  	v38 =	vor.u32 $0xA, v2;
	v50 =	vadd.f32 v21, v19;
	v19 =	vld.idx.msk [tilespmem:v51+s17+$0x0], $0xffff  }
0x6f: {  	v31 =	vor.u32 $0x9, v3;
	v15 =	vld.idx.msk [tilespmem:v52+s13+$0x0], $0xffff  }
0x70: {  	v45 =	vor.u32 $0xC, v1;
	v54 =	vadd.f32 v24, v22;
	v24 =	vld.idx.msk [tilespmem:v56+s17+$0x0], $0xffff  }
0x71: {  	v53 =	vor.u32 $0xE, v3;
	v33 =	vadd.f32 v36, v28;
	v36 =	vld.idx.msk [tilespmem:v59+s13+$0x0], $0xffff  }
0x72: {  	v34 =	vor.u32 $0x10, v3;
	v60 =	vadd.f32 v27, v25;
	v25 =	vld.idx.msk [tilespmem:v61+s15+$0x0], $0xffff  }
0x73: {  	v37 =	vor.u32 $0xA, v1;
	v49 =	vor.u32 $0x12, v2;
	v6 =	vsub.f32 v6, v8;
	v8 =	vld.idx.msk [tilespmem:v38+s13+$0x0], $0xffff  }
0x74: {  	v41 =	vor.u32 $0xB, v1;
	v16 =	vadd.f32 v18, v16;
	v4 =	vsub.f32 v4, v5;
	v5 =	vld.idx.msk [tilespmem:v31+s15+$0x0], $0xffff  }
0x75: {  	v43 =	vor.u32 $0x11, v2;
	v9 =	vsub.f32 v9, v11;
	v11 =	vsub.f32 v42, v14;
	v14 =	vld.idx.msk [tilespmem:v45+s17+$0x0], $0xffff  }
0x76: {  	v56 =	vor.u32 $0x13, v2;
	v16 =	vsub.f32 v16, v17;
	v17 =	vsub.f32 v50, v20;
	v20 =	vld.idx.msk [tilespmem:v53+s15+$0x0], $0xffff  }
0x77: {  	v59 =	vor.u32 $0x14, v3;
	v42 =	vld.idx.msk [tilespmem:v34+s15+$0x0], $0xffff;
	v6 =	vmul.f32 v6, v6;
	v4 =	vmul.f32 v4, v4  }
0x78: {  	v38 =	vor.u32 $0x10, v2;
	v21 =	vsub.f32 v54, v23;
	v23 =	vsub.f32 v60, v26;
	v60 =	vld.idx.msk [tilespmem:v49+s13+$0x0], $0xffff  }
0x79: {  	v9 =	vmul.f32 v9, v9;
	v48 =	vmul.f32 v11, v11;
	v11 =	vld.idx.msk [tilespmem:v41+s17+$0x0], $0xffff;
	v4 =	vadd.f32 v4, v6  }
0x7a: {  	v63 =	vor.u32 $0xF, v2;
	v52 =	vld.idx.msk [tilespmem:v43+s13+$0x0], $0xffff  }
0x7b: {  	v53 =	vor.u32 $0x13, v1;
	v7 =	vsub.f32 v33, v7;
	v33 =	vld.idx.msk [tilespmem:v56+s13+$0x0], $0xffff;
	v4 =	vadd.f32 v9, v4  }
0x7c: {  	v61 =	vor.u32 $0x14, v1;
	v57 =	vmul.f32 v17, v17;
	v17 =	vld.idx.msk [tilespmem:v59+s15+$0x0], $0xffff  }
0x7d: {  	v44 =	vor.u32 $0xC, v3;
	v16 =	vmul.f32 v16, v16;
	v6 =	vld.idx.msk [tilespmem:v37+s17+$0x0], $0xffff;
	v4 =	vadd.f32 v48, v4  }
0x7e: {  	v41 =	vor.u32 $0x11, v1;
	v45 =	vadd.f32 v13, v46;
	v46 =	vld.idx.msk [tilespmem:v38+s13+$0x0], $0xffff  }
0x7f: {  	v39 =	vor.u32 $0x11, v3;
	v5 =	vadd.f32 v40, v5;
	v40 =	vld.idx.msk [tilespmem:v63+s13+$0x0], $0xffff;
	v4 =	vadd.f32 v16, v4  }
0x80: {  	v62 =	vor.u32 $0xF, v1;
	v34 =	vor.u32 $0x15, v1;
	v30 =	vld.idx.msk [tilespmem:v53+s17+$0x0], $0xffff  }
0x81: {  	v21 =	vmul.f32 v21, v21;
	v20 =	vadd.f32 v36, v20;
	v36 =	vld.idx.msk [tilespmem:v61+s17+$0x0], $0xffff;
	v4 =	vadd.f32 v57, v4  }
0x82: {  	v51 =	vor.u32 $0x13, v3;
	v31 =	vor.u32 $0x15, v3;
	v9 =	vld.idx.msk [tilespmem:v44+s15+$0x0], $0xffff  }
0x83: {  	v35 =	vmul.f32 v23, v23;
	v63 =	vor.u32 $0x14, v2;
	v50 =	vld.idx.msk [tilespmem:v41+s17+$0x0], $0xffff;
	v4 =	vadd.f32 v21, v4  }
0x84: {  	v8 =	vadd.f32 v8, v10;
	v7 =	vmul.f32 v7, v7;
	v5 =	vsub.f32 v5, v12;
	v48 =	vld.idx.msk [tilespmem:v39+s15+$0x0], $0xffff  }
0x85: {  	v44 =	vor.u32 $0x12, v3;
	v10 =	vadd.f32 v46, v42;
	v42 =	vld.idx.msk [tilespmem:v34+s17+$0x0], $0xffff;
	v4 =	vadd.f32 v35, v4  }
0x86: {  	v47 =	vor.u32 $0x12, v1;
	v49 =	vor.u32 $0x18, v3;
	v37 =	vor.u32 $0x10, v1;
	v16 =	vld.idx.msk [tilespmem:v62+s17+$0x0], $0xffff  }
0x87: {  	v5 =	vmul.f32 v5, v5;
	v6 =	vsub.f32 v8, v6;
	v62 =	vld.idx.msk [tilespmem:v51+s15+$0x0], $0xffff;
	v4 =	vadd.f32 v7, v4  }
0x88: {  	v8 =	vsub.f32 v45, v11;
	v12 =	vadd.f32 v40, v25;
	v38 =	vld.idx.msk [tilespmem:v63+s13+$0x0], $0xffff;
	v51 =	vor.u32 $0x18, v1  }
0x89: {  	v40 =	vld.idx.msk [tilespmem:v31+s15+$0x0], $0xffff;
	v6 =	vmul.f32 v6, v6;
	v9 =	vadd.f32 v55, v9;
	v4 =	vadd.f32 v5, v4  }
0x8a: {  	v53 =	vor.u32 $0x18, v2;
	v54 =	vmul.f32 v8, v8;
	v55 =	vld.idx.msk [tilespmem:v44+s15+$0x0], $0xffff;
	v57 =	vadd.f32 v15, v58  }
0x8b: {  	v58 =	vld.idx.msk [tilespmem:v47+s17+$0x0], $0xffff;
	v47 =	vor.u32 $0x17, v2;
	v9 =	vsub.f32 v9, v14;
	v4 =	vadd.f32 v6, v4  }
0x8c: {  	v29 =	vor.u32 $0x1A, v2;
	v14 =	vsub.f32 v57, v19;
	v57 =	vor.u32 $0x19, v1;
	v21 =	vld.idx.msk [tilespmem:v49+s15+$0x0], $0xffff  }
0x8d: {  	v39 =	vor.u32 $0x16, v1;
	v9 =	vmul.f32 v9, v9;
	v59 =	vld.idx.msk [tilespmem:v51+s17+$0x0], $0xffff;
	v4 =	vadd.f32 v54, v4  }
0x8e: {  	v43 =	vor.u32 $0x17, v3;
	v20 =	vsub.f32 v20, v24;
	v41 =	vor.u32 $0x16, v2;
	v7 =	vld.idx.msk [tilespmem:v37+s17+$0x0], $0xffff  }
0x8f: {  	v32 =	vmul.f32 v14, v14;
	v14 =	vadd.f32 v33, v62;
	v62 =	vld.idx.msk [tilespmem:v53+s13+$0x0], $0xffff;
	v4 =	vadd.f32 v9, v4  }
0x90: {  	v12 =	vsub.f32 v12, v16;
	v16 =	vadd.f32 v38, v17;
	v35 =	vor.u32 $0x15, v2;
	v56 =	vld.idx.msk [tilespmem:v47+s13+$0x0], $0xffff  }
0x91: {  	v20 =	vmul.f32 v20, v20;
	v14 =	vsub.f32 v14, v30;
	v30 =	vld.idx.msk [tilespmem:v57+s17+$0x0], $0xffff;
	v4 =	vadd.f32 v32, v4  }
0x92: {  	v38 =	vor.u32 $0x1C, v3;
	v37 =	vor.u32 $0x16, v3;
	v5 =	vadd.f32 v52, v48;
	v48 =	vld.idx.msk [tilespmem:v39+s17+$0x0], $0xffff  }
0x93: {  	v12 =	vmul.f32 v12, v12;
	v52 =	vld.idx.msk [tilespmem:v43+s15+$0x0], $0xffff;
	v7 =	vsub.f32 v10, v7;
	v4 =	vadd.f32 v20, v4  }
0x94: {  	v31 =	vor.u32 $0x1B, v3;
	v33 =	vor.u32 $0x1B, v1;
	v39 =	vld.idx.msk [tilespmem:v29+s13+$0x0], $0xffff;
	v5 =	vsub.f32 v5, v50  }
0x95: {  	v44 =	vld.idx.msk [tilespmem:v35+s13+$0x0], $0xffff;
	v6 =	vadd.f32 v60, v55;
	v7 =	vmul.f32 v7, v7;
	v4 =	vadd.f32 v12, v4  }
0x96: {  	v45 =	vor.u32 $0x17, v1;
	v63 =	vor.u32 $0x1A, v1;
	v50 =	vld.idx.msk [tilespmem:v41+s13+$0x0], $0xffff  }
0x97: {  	v46 =	vld.idx.msk [tilespmem:v37+s15+$0x0], $0xffff;
	v5 =	vmul.f32 v5, v5;
	v6 =	vsub.f32 v6, v58;
	v4 =	vadd.f32 v7, v4  }
0x98: {  	v49 =	vor.u32 $0x1E, v3;
	v47 =	vld.idx.msk [tilespmem:v38+s15+$0x0], $0xffff;
	v55 =	vor.u32 $0x19, v3  }
0x99: {  	v43 =	vld.idx.msk [tilespmem:v33+s17+$0x0], $0xffff;
	v58 =	vor.u32 $0x19, v2;
	v6 =	vmul.f32 v6, v6;
	v4 =	vadd.f32 v5, v4  }
0x9a: {  	v61 =	vmul.f32 v14, v14;
	v60 =	vor.u32 $0x1A, v3;
	v41 =	vld.idx.msk [tilespmem:v31+s15+$0x0], $0xffff;
	v10 =	vadd.f32 v44, v40  }
0x9b: {  	v35 =	vor.u32 $0x1B, v2;
	v37 =	vld.idx.msk [tilespmem:v63+s17+$0x0], $0xffff;
	v9 =	vsub.f32 v16, v36;
	v4 =	vadd.f32 v6, v4  }
0x9c: {  	v53 =	vor.u32 $0x1E, v2;
	v54 =	vld.idx.msk [tilespmem:v45+s17+$0x0], $0xffff;
	v10 =	vsub.f32 v10, v42;
	v8 =	vadd.f32 v50, v46  }
0x9d: {  	v40 =	vor.u32 $0x1C, v1;
	v28 =	vld.idx.msk [tilespmem:v55+s15+$0x0], $0xffff;
	v9 =	vmul.f32 v9, v9;
	v4 =	vadd.f32 v61, v4  }
0x9e: {  	v42 =	vor.u32 $0x1C, v2;
	v32 =	vld.idx.msk [tilespmem:v58+s13+$0x0], $0xffff;
	v36 =	vmul.f32 v10, v10;
	v8 =	vsub.f32 v8, v48  }
0x9f: {  	v34 =	vld.idx.msk [tilespmem:v60+s15+$0x0], $0xffff;
	v48 =	vor.u32 $0x1D, v2;
	v5 =	vadd.f32 v56, v52;
	v4 =	vadd.f32 v9, v4  }
0xa0: {  	v14 =	vadd.f32 v62, v21;
	v44 =	vor.u32 $0x1D, v3;
	v45 =	vld.idx.msk [tilespmem:v35+s13+$0x0], $0xffff;
	v3 =	vor.u32 $0x1F, v3  }
0xa1: {  	v58 =	vld.idx.msk [tilespmem:v53+s13+$0x0], $0xffff;
	v8 =	vmul.f32 v8, v8;
	v5 =	vsub.f32 v5, v54;
	v4 =	vadd.f32 v36, v4  }
0xa2: {  	v14 =	vsub.f32 v14, v59;
	v46 =	vor.u32 $0x1D, v1;
	v11 =	vld.idx.msk [tilespmem:v40+s17+$0x0], $0xffff  }
0xa3: {  	v50 =	vld.idx.msk [tilespmem:v42+s13+$0x0], $0xffff;
	v13 =	vadd.f32 v32, v28;
	v5 =	vmul.f32 v5, v5;
	v4 =	vadd.f32 v8, v4  }
0xa4: {  	v51 =	vor.u32 $0x1E, v1;
	v2 =	vor.u32 $0x1F, v2;
	v7 =	vadd.f32 v39, v34;
	v55 =	vld.idx.msk [tilespmem:v48+s13+$0x0], $0xffff  }
0xa5: {  	v14 =	vmul.f32 v14, v14;
	v52 =	vld.idx.msk [tilespmem:v44+s15+$0x0], $0xffff;
	v6 =	vsub.f32 v13, v30;
	v4 =	vadd.f32 v5, v4  }
0xa6: {  	v1 =	vor.u32 $0x1F, v1;
	v3 =	vld.idx.msk [tilespmem:v3+s15+$0x0], $0xffff;
	v9 =	vadd.f32 v45, v41  }
0xa7: {  	v7 =	vsub.f32 v7, v37;
	v54 =	vld.idx.msk [tilespmem:v46+s17+$0x0], $0xffff;
	v6 =	vmul.f32 v6, v6;
	v4 =	vadd.f32 v14, v4  }
0xa8: {  	v56 =	vld.idx.msk [tilespmem:v49+s15+$0x0], $0xffff;
	v9 =	vsub.f32 v9, v43  }
0xa9: {  	v2 =	vld.idx.msk [tilespmem:v2+s13+$0x0], $0xffff;
	v7 =	vmul.f32 v7, v7;
	v5 =	vadd.f32 v50, v47;
	v4 =	vadd.f32 v6, v4  }
0xaa: {  	v57 =	vld.idx.msk [tilespmem:v51+s17+$0x0], $0xffff;
	v60 =	vadd.f32 v55, v52  }
0xab: {  	v59 =	vmul.f32 v9, v9;
	v5 =	vsub.f32 v5, v11;
	v4 =	vadd.f32 v7, v4  }
0xac: {  	v1 =	vld.idx.msk [tilespmem:v1+s17+$0x0], $0xffff;
	v61 =	vsub.f32 v60, v54  }
0xad: {  	v8 =	vadd.f32 v58, v56;
	v5 =	vmul.f32 v5, v5;
	v4 =	vadd.f32 v59, v4  }
0xae: {  	v2 =	vadd.f32 v2, v3  }
0xaf: {  	v62 =	vmul.f32 v61, v61;
	v6 =	vsub.f32 v8, v57;
	v4 =	vadd.f32 v5, v4;
	_ =	sdelay $0x1  }
0xb0: {  	v1 =	vsub.f32 v2, v1;
	v63 =	vmul.f32 v6, v6;
	v3 =	vadd.f32 v62, v4;
	_ =	sdelay $0x1  }
0xb1: {  	v1 =	vmul.f32 v1, v1;
	v2 =	vadd.f32 v63, v3  }
0xb2: {  	p0 =	sne.s32 s5, $0x70  }
.Ltmp3:
0xb3: {  	v1 =	vadd.f32 v1, v2;
	(pc) =	sbr.rel @p0 .LBB2_5-.Ltmp3, $4  }
0xb4: {  	_ = 	snop  }
0xb5: {  	v1 =	vsub.f32 $0.0e+00, v1  }
0xb6: {  	s29 =	sadd.s32 $0x10, s29;
	s30 =	sadd.s32 $0x10, s30  }
0xb7: {  	s31 =	sadd.s32 $0x10, s31;
	s5 =	sadd.s32 $0x10, s5;
	[tilespmem:s0+$0x0] =	vst v1;
	s0 =	sadd.s32 $0x10, s0  }
0xb8: {  	p0 =	seq.s32 s12, $0x7  }
0xb9: {  	s0 =	sadd.s32 @!p0 $0x1900, s14;
	s5 =	simm.s32 @!p0 $0x80;
	s29 =	simm.s32 @!p0 $0xA800  }
0xba: {  	[tilespmem:s29], [sflag:$0x1] =	stream.indirect.gather @!p0 [hbm4b:s4+s5], $0x80, s0, s5, $0xb8;
	[tilespmem:$0x1B000] =	vst v63  }
0xbb: {  	s0 =	sadd.s32 @!p0 $0x2100, s14;
	s29 =	simm.s32 @!p0 $0x12800  }
0xbc: {  	[tilespmem:s29], [sflag:$0x1] =	stream.indirect.gather @!p0 [hbm4b:s4+s5], $0x80, s0, s5, $0xb8;
	[tilespmem:$0x1B000] =	vst v63  }
0xbd: {  	_ =	swait.ge [sflag:s23], $0x4000  }
0xbe: {  	[sflag:s23] =	ssyncset.done $0x0  }
0xbf: {  	[sflag:s23] =	ssyncadd.s32 $0xFFFFC000  }
0xc0: {  	s31 =	smov.u32 s28;
	_ =	swait.ge [sflag:s23], $0x4000  }
0xc1: {  	s30 =	smov.u32 s11;
	s0 =	simm.s32 $0x0;
	[sflag:s23] =	ssyncset.done $0x0  }
0xc2: {  	s29 =	smov.u32 s1;
	s5 =	smov.u32 s2;
	[sflag:s23] =	ssyncadd.s32 $0xFFFFC000  }
.LBB2_7:
0xc3: {  	v1 =	vld [tilespmem:s31+$0x0]  }
0xc4: {  	v2 =	vld [tilespmem:s30+$0x0];
	_ =	sdelay $0x2  }
0xc5: {  	v3 =	vmov s0;
	v4 =	vld [tilespmem:s29+$0x0]  }
0xc6: {  	v3 =	vshll.u32 v3, $0x7;
	v1 =	vshrl.u32 v1, $0x8  }
0xc7: {  	v5 =	vor.u32 v0, v3;
	v2 =	vshrl.u32 v2, $0x8;
	v1 =	vand.u32 $0x60, v1  }
0xc8: {  	v2 =	vand.u32 $0x60, v2;
	v3 =	vor.u32 v5, v1  }
0xc9: {  	v1 =	vor.u32 v5, v2  }
0xca: {  	v2 =	vshll.u32 v4, $0x5  }
0xcb: {  	v62 =	vor.u32 $0x1, v3  }
0xcc: {  	v5 =	vor.u32 $0x1, v1  }
0xcd: {  	v7 =	vor.u32 $0x1, v2;
	v6 =	vld.idx.msk [tilespmem:v3+s19+$0x0], $0xffff  }
0xce: {  	v9 =	vor.u32 $0x2, v3;
	v8 =	vld.idx.msk [tilespmem:v1+s21+$0x0], $0xffff  }
0xcf: {  	v11 =	vor.u32 $0x2, v1;
	v10 =	vld.idx.msk [tilespmem:v2+s13+$0x0], $0xffff  }
0xd0: {  	v12 =	vor.u32 $0x2, v2;
	v4 =	vld.idx.msk [tilespmem:v62+s19+$0x0], $0xffff  }
0xd1: {  	v13 =	vor.u32 $0x3, v3;
	v5 =	vld.idx.msk [tilespmem:v5+s21+$0x0], $0xffff  }
0xd2: {  	v14 =	vor.u32 $0x3, v1;
	v7 =	vld.idx.msk [tilespmem:v7+s13+$0x0], $0xffff  }
0xd3: {  	v15 =	vor.u32 $0x3, v2;
	v9 =	vld.idx.msk [tilespmem:v9+s19+$0x0], $0xffff  }
0xd4: {  	v16 =	vor.u32 $0x4, v3;
	v11 =	vld.idx.msk [tilespmem:v11+s21+$0x0], $0xffff  }
0xd5: {  	v17 =	vor.u32 $0x4, v1;
	v12 =	vld.idx.msk [tilespmem:v12+s13+$0x0], $0xffff  }
0xd6: {  	v18 =	vor.u32 $0x4, v2;
	v13 =	vld.idx.msk [tilespmem:v13+s19+$0x0], $0xffff  }
0xd7: {  	v19 =	vor.u32 $0x5, v3;
	v14 =	vld.idx.msk [tilespmem:v14+s21+$0x0], $0xffff  }
0xd8: {  	v20 =	vor.u32 $0x5, v1;
	v15 =	vld.idx.msk [tilespmem:v15+s13+$0x0], $0xffff  }
0xd9: {  	v21 =	vor.u32 $0x5, v2;
	v16 =	vld.idx.msk [tilespmem:v16+s19+$0x0], $0xffff  }
0xda: {  	v22 =	vor.u32 $0x6, v3;
	v17 =	vld.idx.msk [tilespmem:v17+s21+$0x0], $0xffff  }
0xdb: {  	v23 =	vor.u32 $0x6, v1;
	v18 =	vld.idx.msk [tilespmem:v18+s13+$0x0], $0xffff  }
0xdc: {  	v24 =	vor.u32 $0x6, v2;
	v19 =	vld.idx.msk [tilespmem:v19+s19+$0x0], $0xffff  }
0xdd: {  	v25 =	vor.u32 $0x7, v3;
	v20 =	vld.idx.msk [tilespmem:v20+s21+$0x0], $0xffff  }
0xde: {  	v26 =	vor.u32 $0x7, v1;
	v21 =	vld.idx.msk [tilespmem:v21+s13+$0x0], $0xffff  }
0xdf: {  	v27 =	vor.u32 $0x7, v2;
	v22 =	vld.idx.msk [tilespmem:v22+s19+$0x0], $0xffff  }
0xe0: {  	v28 =	vor.u32 $0x8, v3;
	v23 =	vld.idx.msk [tilespmem:v23+s21+$0x0], $0xffff  }
0xe1: {  	v30 =	vor.u32 $0x8, v2;
	v24 =	vld.idx.msk [tilespmem:v24+s13+$0x0], $0xffff  }
0xe2: {  	v33 =	vor.u32 $0x9, v2;
	v25 =	vld.idx.msk [tilespmem:v25+s19+$0x0], $0xffff  }
0xe3: {  	v39 =	vor.u32 $0xB, v3;
	v26 =	vld.idx.msk [tilespmem:v26+s21+$0x0], $0xffff  }
0xe4: {  	v47 =	vor.u32 $0xC, v2;
	v27 =	vld.idx.msk [tilespmem:v27+s13+$0x0], $0xffff  }
0xe5: {  	v49 =	vor.u32 $0xD, v3;
	v28 =	vld.idx.msk [tilespmem:v28+s19+$0x0], $0xffff  }
0xe6: {  	v63 =	vor.u32 $0xA, v3;
	v36 =	vld.idx.msk [tilespmem:v30+s13+$0x0], $0xffff  }
0xe7: {  	v29 =	vor.u32 $0x8, v1;
	v40 =	vld.idx.msk [tilespmem:v33+s13+$0x0], $0xffff  }
0xe8: {  	v32 =	vor.u32 $0x9, v1;
	v46 =	vld.idx.msk [tilespmem:v39+s19+$0x0], $0xffff  }
0xe9: {  	v43 =	vor.u32 $0xB, v2;
	v55 =	vld.idx.msk [tilespmem:v47+s13+$0x0], $0xffff  }
0xea: {  	v51 =	vor.u32 $0xD, v1;
	v58 =	vld.idx.msk [tilespmem:v49+s19+$0x0], $0xffff  }
0xeb: {  	v52 =	vor.u32 $0xD, v2;
	v6 =	vadd.f32 v10, v6;
	v10 =	vld.idx.msk [tilespmem:v63+s19+$0x0], $0xffff  }
0xec: {  	v56 =	vor.u32 $0xE, v1;
	v4 =	vadd.f32 v7, v4;
	v7 =	vld.idx.msk [tilespmem:v29+s21+$0x0], $0xffff  }
0xed: {  	v59 =	vor.u32 $0xE, v2;
	v9 =	vadd.f32 v12, v9;
	v12 =	vld.idx.msk [tilespmem:v32+s21+$0x0], $0xffff  }
0xee: {  	v61 =	vor.u32 $0xF, v3;
	v42 =	vadd.f32 v15, v13;
	v13 =	vld.idx.msk [tilespmem:v43+s13+$0x0], $0xffff  }
0xef: {  	v38 =	vor.u32 $0xA, v2;
	v50 =	vadd.f32 v21, v19;
	v19 =	vld.idx.msk [tilespmem:v51+s21+$0x0], $0xffff  }
0xf0: {  	v31 =	vor.u32 $0x9, v3;
	v15 =	vld.idx.msk [tilespmem:v52+s13+$0x0], $0xffff  }
0xf1: {  	v45 =	vor.u32 $0xC, v1;
	v54 =	vadd.f32 v24, v22;
	v24 =	vld.idx.msk [tilespmem:v56+s21+$0x0], $0xffff  }
0xf2: {  	v53 =	vor.u32 $0xE, v3;
	v33 =	vadd.f32 v36, v28;
	v36 =	vld.idx.msk [tilespmem:v59+s13+$0x0], $0xffff  }
0xf3: {  	v34 =	vor.u32 $0x10, v3;
	v60 =	vadd.f32 v27, v25;
	v25 =	vld.idx.msk [tilespmem:v61+s19+$0x0], $0xffff  }
0xf4: {  	v37 =	vor.u32 $0xA, v1;
	v49 =	vor.u32 $0x12, v2;
	v6 =	vsub.f32 v6, v8;
	v8 =	vld.idx.msk [tilespmem:v38+s13+$0x0], $0xffff  }
0xf5: {  	v41 =	vor.u32 $0xB, v1;
	v16 =	vadd.f32 v18, v16;
	v4 =	vsub.f32 v4, v5;
	v5 =	vld.idx.msk [tilespmem:v31+s19+$0x0], $0xffff  }
0xf6: {  	v43 =	vor.u32 $0x11, v2;
	v9 =	vsub.f32 v9, v11;
	v11 =	vsub.f32 v42, v14;
	v14 =	vld.idx.msk [tilespmem:v45+s21+$0x0], $0xffff  }
0xf7: {  	v56 =	vor.u32 $0x13, v2;
	v16 =	vsub.f32 v16, v17;
	v17 =	vsub.f32 v50, v20;
	v20 =	vld.idx.msk [tilespmem:v53+s19+$0x0], $0xffff  }
0xf8: {  	v59 =	vor.u32 $0x14, v3;
	v42 =	vld.idx.msk [tilespmem:v34+s19+$0x0], $0xffff;
	v6 =	vmul.f32 v6, v6;
	v4 =	vmul.f32 v4, v4  }
0xf9: {  	v38 =	vor.u32 $0x10, v2;
	v21 =	vsub.f32 v54, v23;
	v23 =	vsub.f32 v60, v26;
	v60 =	vld.idx.msk [tilespmem:v49+s13+$0x0], $0xffff  }
0xfa: {  	v9 =	vmul.f32 v9, v9;
	v48 =	vmul.f32 v11, v11;
	v11 =	vld.idx.msk [tilespmem:v41+s21+$0x0], $0xffff;
	v4 =	vadd.f32 v4, v6  }
0xfb: {  	v63 =	vor.u32 $0xF, v2;
	v52 =	vld.idx.msk [tilespmem:v43+s13+$0x0], $0xffff  }
0xfc: {  	v53 =	vor.u32 $0x13, v1;
	v7 =	vsub.f32 v33, v7;
	v33 =	vld.idx.msk [tilespmem:v56+s13+$0x0], $0xffff;
	v4 =	vadd.f32 v9, v4  }
0xfd: {  	v61 =	vor.u32 $0x14, v1;
	v57 =	vmul.f32 v17, v17;
	v17 =	vld.idx.msk [tilespmem:v59+s19+$0x0], $0xffff  }
0xfe: {  	v44 =	vor.u32 $0xC, v3;
	v16 =	vmul.f32 v16, v16;
	v6 =	vld.idx.msk [tilespmem:v37+s21+$0x0], $0xffff;
	v4 =	vadd.f32 v48, v4  }
0xff: {  	v41 =	vor.u32 $0x11, v1;
	v45 =	vadd.f32 v13, v46;
	v46 =	vld.idx.msk [tilespmem:v38+s13+$0x0], $0xffff  }
0x100: {  	v39 =	vor.u32 $0x11, v3;
	v5 =	vadd.f32 v40, v5;
	v40 =	vld.idx.msk [tilespmem:v63+s13+$0x0], $0xffff;
	v4 =	vadd.f32 v16, v4  }
0x101: {  	v62 =	vor.u32 $0xF, v1;
	v34 =	vor.u32 $0x15, v1;
	v30 =	vld.idx.msk [tilespmem:v53+s21+$0x0], $0xffff  }
0x102: {  	v21 =	vmul.f32 v21, v21;
	v20 =	vadd.f32 v36, v20;
	v36 =	vld.idx.msk [tilespmem:v61+s21+$0x0], $0xffff;
	v4 =	vadd.f32 v57, v4  }
0x103: {  	v51 =	vor.u32 $0x13, v3;
	v31 =	vor.u32 $0x15, v3;
	v9 =	vld.idx.msk [tilespmem:v44+s19+$0x0], $0xffff  }
0x104: {  	v35 =	vmul.f32 v23, v23;
	v63 =	vor.u32 $0x14, v2;
	v50 =	vld.idx.msk [tilespmem:v41+s21+$0x0], $0xffff;
	v4 =	vadd.f32 v21, v4  }
0x105: {  	v8 =	vadd.f32 v8, v10;
	v7 =	vmul.f32 v7, v7;
	v5 =	vsub.f32 v5, v12;
	v48 =	vld.idx.msk [tilespmem:v39+s19+$0x0], $0xffff  }
0x106: {  	v44 =	vor.u32 $0x12, v3;
	v10 =	vadd.f32 v46, v42;
	v42 =	vld.idx.msk [tilespmem:v34+s21+$0x0], $0xffff;
	v4 =	vadd.f32 v35, v4  }
0x107: {  	v47 =	vor.u32 $0x12, v1;
	v49 =	vor.u32 $0x18, v3;
	v37 =	vor.u32 $0x10, v1;
	v16 =	vld.idx.msk [tilespmem:v62+s21+$0x0], $0xffff  }
0x108: {  	v5 =	vmul.f32 v5, v5;
	v6 =	vsub.f32 v8, v6;
	v62 =	vld.idx.msk [tilespmem:v51+s19+$0x0], $0xffff;
	v4 =	vadd.f32 v7, v4  }
0x109: {  	v8 =	vsub.f32 v45, v11;
	v12 =	vadd.f32 v40, v25;
	v38 =	vld.idx.msk [tilespmem:v63+s13+$0x0], $0xffff;
	v51 =	vor.u32 $0x18, v1  }
0x10a: {  	v40 =	vld.idx.msk [tilespmem:v31+s19+$0x0], $0xffff;
	v6 =	vmul.f32 v6, v6;
	v9 =	vadd.f32 v55, v9;
	v4 =	vadd.f32 v5, v4  }
0x10b: {  	v53 =	vor.u32 $0x18, v2;
	v54 =	vmul.f32 v8, v8;
	v55 =	vld.idx.msk [tilespmem:v44+s19+$0x0], $0xffff;
	v57 =	vadd.f32 v15, v58  }
0x10c: {  	v58 =	vld.idx.msk [tilespmem:v47+s21+$0x0], $0xffff;
	v47 =	vor.u32 $0x17, v2;
	v9 =	vsub.f32 v9, v14;
	v4 =	vadd.f32 v6, v4  }
0x10d: {  	v29 =	vor.u32 $0x1A, v2;
	v14 =	vsub.f32 v57, v19;
	v57 =	vor.u32 $0x19, v1;
	v21 =	vld.idx.msk [tilespmem:v49+s19+$0x0], $0xffff  }
0x10e: {  	v39 =	vor.u32 $0x16, v1;
	v9 =	vmul.f32 v9, v9;
	v59 =	vld.idx.msk [tilespmem:v51+s21+$0x0], $0xffff;
	v4 =	vadd.f32 v54, v4  }
0x10f: {  	v43 =	vor.u32 $0x17, v3;
	v20 =	vsub.f32 v20, v24;
	v41 =	vor.u32 $0x16, v2;
	v7 =	vld.idx.msk [tilespmem:v37+s21+$0x0], $0xffff  }
0x110: {  	v32 =	vmul.f32 v14, v14;
	v14 =	vadd.f32 v33, v62;
	v62 =	vld.idx.msk [tilespmem:v53+s13+$0x0], $0xffff;
	v4 =	vadd.f32 v9, v4  }
0x111: {  	v12 =	vsub.f32 v12, v16;
	v16 =	vadd.f32 v38, v17;
	v35 =	vor.u32 $0x15, v2;
	v56 =	vld.idx.msk [tilespmem:v47+s13+$0x0], $0xffff  }
0x112: {  	v20 =	vmul.f32 v20, v20;
	v14 =	vsub.f32 v14, v30;
	v30 =	vld.idx.msk [tilespmem:v57+s21+$0x0], $0xffff;
	v4 =	vadd.f32 v32, v4  }
0x113: {  	v38 =	vor.u32 $0x1C, v3;
	v37 =	vor.u32 $0x16, v3;
	v5 =	vadd.f32 v52, v48;
	v48 =	vld.idx.msk [tilespmem:v39+s21+$0x0], $0xffff  }
0x114: {  	v12 =	vmul.f32 v12, v12;
	v52 =	vld.idx.msk [tilespmem:v43+s19+$0x0], $0xffff;
	v7 =	vsub.f32 v10, v7;
	v4 =	vadd.f32 v20, v4  }
0x115: {  	v31 =	vor.u32 $0x1B, v3;
	v33 =	vor.u32 $0x1B, v1;
	v39 =	vld.idx.msk [tilespmem:v29+s13+$0x0], $0xffff;
	v5 =	vsub.f32 v5, v50  }
0x116: {  	v44 =	vld.idx.msk [tilespmem:v35+s13+$0x0], $0xffff;
	v6 =	vadd.f32 v60, v55;
	v7 =	vmul.f32 v7, v7;
	v4 =	vadd.f32 v12, v4  }
0x117: {  	v45 =	vor.u32 $0x17, v1;
	v63 =	vor.u32 $0x1A, v1;
	v50 =	vld.idx.msk [tilespmem:v41+s13+$0x0], $0xffff  }
0x118: {  	v46 =	vld.idx.msk [tilespmem:v37+s19+$0x0], $0xffff;
	v5 =	vmul.f32 v5, v5;
	v6 =	vsub.f32 v6, v58;
	v4 =	vadd.f32 v7, v4  }
0x119: {  	v49 =	vor.u32 $0x1E, v3;
	v47 =	vld.idx.msk [tilespmem:v38+s19+$0x0], $0xffff;
	v55 =	vor.u32 $0x19, v3  }
0x11a: {  	v43 =	vld.idx.msk [tilespmem:v33+s21+$0x0], $0xffff;
	v58 =	vor.u32 $0x19, v2;
	v6 =	vmul.f32 v6, v6;
	v4 =	vadd.f32 v5, v4  }
0x11b: {  	v61 =	vmul.f32 v14, v14;
	v60 =	vor.u32 $0x1A, v3;
	v41 =	vld.idx.msk [tilespmem:v31+s19+$0x0], $0xffff;
	v10 =	vadd.f32 v44, v40  }
0x11c: {  	v35 =	vor.u32 $0x1B, v2;
	v37 =	vld.idx.msk [tilespmem:v63+s21+$0x0], $0xffff;
	v9 =	vsub.f32 v16, v36;
	v4 =	vadd.f32 v6, v4  }
0x11d: {  	v53 =	vor.u32 $0x1E, v2;
	v54 =	vld.idx.msk [tilespmem:v45+s21+$0x0], $0xffff;
	v10 =	vsub.f32 v10, v42;
	v8 =	vadd.f32 v50, v46  }
0x11e: {  	v40 =	vor.u32 $0x1C, v1;
	v28 =	vld.idx.msk [tilespmem:v55+s19+$0x0], $0xffff;
	v9 =	vmul.f32 v9, v9;
	v4 =	vadd.f32 v61, v4  }
0x11f: {  	v42 =	vor.u32 $0x1C, v2;
	v32 =	vld.idx.msk [tilespmem:v58+s13+$0x0], $0xffff;
	v36 =	vmul.f32 v10, v10;
	v8 =	vsub.f32 v8, v48  }
0x120: {  	v34 =	vld.idx.msk [tilespmem:v60+s19+$0x0], $0xffff;
	v48 =	vor.u32 $0x1D, v2;
	v5 =	vadd.f32 v56, v52;
	v4 =	vadd.f32 v9, v4  }
0x121: {  	v14 =	vadd.f32 v62, v21;
	v44 =	vor.u32 $0x1D, v3;
	v45 =	vld.idx.msk [tilespmem:v35+s13+$0x0], $0xffff;
	v3 =	vor.u32 $0x1F, v3  }
0x122: {  	v58 =	vld.idx.msk [tilespmem:v53+s13+$0x0], $0xffff;
	v8 =	vmul.f32 v8, v8;
	v5 =	vsub.f32 v5, v54;
	v4 =	vadd.f32 v36, v4  }
0x123: {  	v14 =	vsub.f32 v14, v59;
	v46 =	vor.u32 $0x1D, v1;
	v11 =	vld.idx.msk [tilespmem:v40+s21+$0x0], $0xffff  }
0x124: {  	v50 =	vld.idx.msk [tilespmem:v42+s13+$0x0], $0xffff;
	v13 =	vadd.f32 v32, v28;
	v5 =	vmul.f32 v5, v5;
	v4 =	vadd.f32 v8, v4  }
0x125: {  	v51 =	vor.u32 $0x1E, v1;
	v2 =	vor.u32 $0x1F, v2;
	v7 =	vadd.f32 v39, v34;
	v55 =	vld.idx.msk [tilespmem:v48+s13+$0x0], $0xffff  }
0x126: {  	v14 =	vmul.f32 v14, v14;
	v52 =	vld.idx.msk [tilespmem:v44+s19+$0x0], $0xffff;
	v6 =	vsub.f32 v13, v30;
	v4 =	vadd.f32 v5, v4  }
0x127: {  	v1 =	vor.u32 $0x1F, v1;
	v3 =	vld.idx.msk [tilespmem:v3+s19+$0x0], $0xffff;
	v9 =	vadd.f32 v45, v41  }
0x128: {  	v7 =	vsub.f32 v7, v37;
	v54 =	vld.idx.msk [tilespmem:v46+s21+$0x0], $0xffff;
	v6 =	vmul.f32 v6, v6;
	v4 =	vadd.f32 v14, v4  }
0x129: {  	v56 =	vld.idx.msk [tilespmem:v49+s19+$0x0], $0xffff;
	v9 =	vsub.f32 v9, v43  }
0x12a: {  	v2 =	vld.idx.msk [tilespmem:v2+s13+$0x0], $0xffff;
	v7 =	vmul.f32 v7, v7;
	v5 =	vadd.f32 v50, v47;
	v4 =	vadd.f32 v6, v4  }
0x12b: {  	v57 =	vld.idx.msk [tilespmem:v51+s21+$0x0], $0xffff;
	v60 =	vadd.f32 v55, v52  }
0x12c: {  	v59 =	vmul.f32 v9, v9;
	v5 =	vsub.f32 v5, v11;
	v4 =	vadd.f32 v7, v4  }
0x12d: {  	v1 =	vld.idx.msk [tilespmem:v1+s21+$0x0], $0xffff;
	v61 =	vsub.f32 v60, v54  }
0x12e: {  	v8 =	vadd.f32 v58, v56;
	v5 =	vmul.f32 v5, v5;
	v4 =	vadd.f32 v59, v4  }
0x12f: {  	v2 =	vadd.f32 v2, v3  }
0x130: {  	v62 =	vmul.f32 v61, v61;
	v6 =	vsub.f32 v8, v57;
	v4 =	vadd.f32 v5, v4;
	_ =	sdelay $0x1  }
0x131: {  	v1 =	vsub.f32 v2, v1;
	v63 =	vmul.f32 v6, v6;
	v3 =	vadd.f32 v62, v4;
	_ =	sdelay $0x1  }
0x132: {  	v1 =	vmul.f32 v1, v1;
	v2 =	vadd.f32 v63, v3  }
0x133: {  	p1 =	sne.s32 s0, $0x70  }
.Ltmp4:
0x134: {  	v1 =	vadd.f32 v1, v2;
	(pc) =	sbr.rel @p1 .LBB2_7-.Ltmp4, $4  }
0x135: {  	_ = 	snop  }
0x136: {  	v1 =	vsub.f32 $0.0e+00, v1  }
0x137: {  	s29 =	sadd.s32 $0x10, s29;
	s30 =	sadd.s32 $0x10, s30  }
0x138: {  	s31 =	sadd.s32 $0x10, s31;
	s0 =	sadd.s32 $0x10, s0;
	[tilespmem:s5+$0x0] =	vst v1;
	s5 =	sadd.s32 $0x10, s5  }
.Ltmp5:
0x139: {  	(pc) =	sbr.rel @p0 .LBB2_10-.Ltmp5, $1  }
0x13a: {  	_ =	sdelay $0x3  }
0x13b: {  	s0 =	sadd.s32 $0x1980, s14;
	s31 =	sadd.s32 $0x2180, s14;
	s12 =	sadd.s32 $0x1, s12  }
.Ltmp6:
0x13c: {  	s24 =	sadd.s32 $0x100, s24;
	s20 =	sadd.s32 $0x100, s20;
	(pc) =	sbr.rel .LBB2_4-.Ltmp6, $4  }
0x13d: {  	s18 =	sadd.s32 $0x100, s18;
	s16 =	sadd.s32 $0x100, s16;
	s2 =	sadd.s32 $0x100, s2  }
0x13e: {  	[tilespmem:s19], [sflag:$0x2] =	stream.indirect.gather [hbm4b:s4+s25], $0x80, s0, s25, $0xb8;
	[tilespmem:$0x1B000] =	vst v63  }
0x13f: {  	s1 =	sadd.s32 $0x100, s1;
	s11 =	sadd.s32 $0x100, s11;
	s28 =	sadd.s32 $0x100, s28  }
0x140: {  	[tilespmem:s21], [sflag:$0x2] =	stream.indirect.gather [hbm4b:s4+s25], $0x80, s31, s25, $0xb8;
	[tilespmem:$0x1B000] =	vst v63  }
.LBB2_11:
0x141: {  	_ =	sfence.sel $0x180000  }
0x142: {  	[bflag:$0x0] =	sbarrier.arrive $0xFFFF  }
0x143: {  	_ =	strace $0x90000047  }
0x144: {  	s0 =	stileid.u32;
	[bflag:$0x2] =	sbarrier.arrive $0xFFFF  }
0x145: {  	p0 =	sne.s32 s0, $0x0;
	s0 =	rddreg [dreg:$0x3]  }
0x146: {  	s0 =	sadd.s32 @!p0 $0x100000, s0  }
0x147: {  	[sflag:s0] =	ssyncadd.tile.s32 @!p0 $0x1;
	_ =	shalt  }
.Lfunc_end2:
_tile_overlayer_lowered:
.L_overlay_start_2:
0x148: {  	(tag) =	ssettag $0x2  }
0x149: {  	s0 =	rddreg [dreg:$0x0];
	s2 =	stileid.u32  }
0x14a: {  	s1 =	rddreg [dreg:$0x1];
	p0 =	sne.s32 s2, $0x0  }
0x14b: {  	s3 =	rddreg [dreg:$0x2];
	[bflag:$0x3] =	sbarrier.arrive $0xFFFF;
	s2 =	simm.s32 @!p0 $0x1C03  }
0x14c: {  	[timem:s3], [sflag:s2] =	dma.local @!p0 [hbm:s0], s1  }
0x14d: {  	s0 =	simm.s32 @!p0 $0x3  }
0x14e: {  	_ =	swait.ge @!p0 [sflag:s0], s1  }
0x14f: {  	s1 =	ssub.s32 @!p0 $0x0, s1;
	[sflag:s0] =	ssyncset.done @!p0 $0x0  }
0x150: {  	[sflag:s0] =	ssyncadd.s32 @!p0 s1  }
0x151: {  	[bflag:$0x3] =	sbarrier.arrive $0xFFFF  }
0x152: {  	_ =	shalt  }

</sc_bundles>
